<compile_context>
chip_gen: v7x
topology: tpu7x:2x2x1
jax: 0.10.2.dev20260603
libtpu: 0.0.44.dev20260713+nightly
codegen_flags: <defaults>
</compile_context>

<pallas_src>
import functools

import jax
import jax.numpy as jnp
from jax import lax
from jax.experimental import pallas as pl
from jax.experimental.pallas import tpu as pltpu
from jax.experimental.pallas import tpu_sc as plsc

EMBED_DIM = 128
NUM_CORES = 2
NUM_SUBCORES = 16
NW = NUM_CORES * NUM_SUBCORES
CHUNK = 128
NT = 4
NS = 2
PERIOD = 4


@functools.lru_cache(maxsize=None)
def _make_gather(total, dim):
    per_w = total // NW
    n_chunks = per_w // CHUNK
    assert n_chunks >= 2 * PERIOD
    mesh = plsc.VectorSubcoreMesh(core_axis_name="c", subcore_axis_name="s")

    @functools.partial(
        pl.kernel,
        out_type=jax.ShapeDtypeStruct((total, dim), jnp.float32),
        mesh=mesh,
        scratch_types=[
            pltpu.VMEM((n_chunks, CHUNK), jnp.int32),
            pltpu.VMEM((NT, CHUNK, dim), jnp.float32),
            pltpu.VMEM_SHARED((NUM_SUBCORES, NS, CHUNK, dim), jnp.float32),
            pltpu.SemaphoreType.DMA((NT,)),
            pltpu.SemaphoreType.DMA((NS,)),
            pltpu.SemaphoreType.DMA((NS,)),
        ],
    )
    def gather_kernel(idx_hbm, table_hbm, out_hbm, idx_v, rows_v, sp_v,
                      sem_g, sem_d, sem_s):
        sid = lax.axis_index("s")
        wid = sid * NUM_CORES + lax.axis_index("c")
        base = wid * per_w

        pltpu.sync_copy(idx_hbm.at[wid], idx_v)

        def gather(c, a):
            pltpu.async_copy(table_hbm.at[idx_v.at[c]], rows_v.at[a],
                             sem_g.at[a])

        def wait_gather(a):
            pltpu.make_async_copy(table_hbm.at[idx_v.at[0]], rows_v.at[a],
                                  sem_g.at[a]).wait()

        def dma(a, p):
            pltpu.async_copy(rows_v.at[a], sp_v.at[sid, p], sem_d.at[p])

        def wait_dma(p):
            pltpu.make_async_copy(rows_v.at[0], sp_v.at[sid, p],
                                  sem_d.at[p]).wait()

        def store(c, p):
            pltpu.async_copy(sp_v.at[sid, p],
                             out_hbm.at[pl.ds(base + c * CHUNK, CHUNK)],
                             sem_s.at[p])

        def wait_store(p):
            pltpu.make_async_copy(sp_v.at[sid, p], out_hbm.at[pl.ds(base, CHUNK)],
                                  sem_s.at[p]).wait()

        def step(t, a, p, do_wait_store=True, do_store=True, do_gather=True):
            wait_gather(a)
            if do_wait_store:
                wait_store(p)
            dma(a, p)
            if do_store:
                wait_dma((p + NS - 1) % NS)
                store(t - 1, (p + NS - 1) % NS)
            if do_gather:
                gather(t + NT - 1, (a + NT - 1) % NT)

        for c in range(NT - 1):
            gather(c, c)
        for t in range(NT):
            step(t, t % NT, t % NS, do_wait_store=(t >= NS), do_store=(t >= 1))

        n_steady = n_chunks - 2 * NT + 1
        n_blocks = n_steady // PERIOD

        def body(k, carry):
            t0 = NT + PERIOD * k
            for b in range(PERIOD):
                step(t0 + b, (NT + b) % NT, (NT + b) % NS)
            return carry

        lax.fori_loop(0, n_blocks, body, 0)

        for t in range(NT + PERIOD * n_blocks, n_chunks - NT + 1):
            step(t, t % NT, t % NS)

        for t in range(n_chunks - NT + 1, n_chunks):
            step(t, t % NT, t % NS, do_gather=False)
        p = (n_chunks - 1) % NS
        wait_dma(p)
        store(n_chunks - 1, p)
        for d in range(1, NS):
            wait_store((p + d) % NS)
        wait_store(p)

    return gather_kernel


def kernel(indices, table):
    batch, tokens = indices.shape
    total = batch * tokens
    per_w = total // NW
    idx3 = indices.reshape(NW, per_w // CHUNK, CHUNK).astype(jnp.int32)
    out = _make_gather(total, table.shape[1])(idx3, table)
    return out.reshape(batch, tokens, table.shape[1])

# --- scband reference (transcript-rebuilt; emitter-appended) ---
"""Pipeline reference for scband-htmlto-embedding-25718264169197 (READ-ONLY COPY).

The authoritative reference and input builder live on the scoring server;
editing this copy changes nothing except your own understanding.
"""

import jax, jax.numpy as jnp
import numpy as np

VOCAB = 100000
EMBED_DIM = 128
BATCH = 4096
MAX_TOKENS = 200

def setup_inputs(seed: int = 0) -> dict:
    key = jax.random.key(seed)
    k1, k2 = jax.random.split(key)
    indices = jax.random.randint(k1, (BATCH, MAX_TOKENS), 0, VOCAB, dtype=jnp.int64 if jax.config.jax_enable_x64 else jnp.int32)
    table = jax.random.normal(k2, (VOCAB, EMBED_DIM), dtype=jnp.float32)
    return {"indices": indices, "table": table}

def reference(indices, table):
    # Faithful to HTMLToEmbedding.forward after tokenization: indexed tokens
    # (already padded/truncated to max_tokens) are looked up in nn.Embedding.
    embedded = jnp.take(table, indices, axis=0)
    return embedded

if __name__ == "__main__":
    import jax
    _d = setup_inputs()
    print(jax.jit(kernel)(*tuple(_d.values())))

</pallas_src>

<mosaic_0001>
#map = affine_map<(d0, d1) -> (0, 0, 0)>
#map1 = affine_map<(d0, d1) -> (0, 0)>
module attributes {stable_mosaic.version = 14 : i64} {
  func.func @gather_kernel(%arg0: i32, %arg1: i32, %arg2: memref<32x200x128xi32, #tpu.memory_space<hbm>>, %arg3: memref<100000x128xf32, #tpu.memory_space<hbm>>, %arg4: memref<819200x128xf32, #tpu.memory_space<hbm>>, %arg5: memref<200x128xi32, #tpu.memory_space<vmem>>, %arg6: memref<4x128x128xf32, #tpu.memory_space<vmem>>, %arg7: memref<16x2x128x128xf32, #tpu.memory_space<vmem_shared>>, %arg8: memref<4x!tpu.dma_semaphore, #tpu.memory_space<semaphore_mem>>, %arg9: memref<2x!tpu.dma_semaphore, #tpu.memory_space<semaphore_mem>>, %arg10: memref<2x!tpu.dma_semaphore, #tpu.memory_space<semaphore_mem>>) attributes {dimension_semantics = [#tpu.dimension_semantics<core_parallel>, #tpu.dimension_semantics<subcore_parallel>], iteration_bounds = array<i64: 2, 16>, scalar_prefetch = 0 : i64, scratch_operands = 6 : i64, tpu.core_type = #tpu.core_type<sc_vector_subcore>, window_params = [{transform_indices = #map}, {transform_indices = #map1}, {transform_indices = #map1}]} {
    %mul3A = arith.constant 2 : i32
    %mul3A_0 = arith.muli %arg1, %mul3A : i32
    %add3A = arith.addi %mul3A_0, %arg0 : i32
    %mul3A_1 = arith.constant 25600 : i32
    %mul3A_2 = arith.muli %add3A, %mul3A_1 : i32
    "tpu.region"() ({
      %run_scoped3A = tpu.sem_alloc : memref<!tpu.dma_semaphore, #tpu.memory_space<semaphore_mem>>
      %dma_start3A_758 = arith.constant 0 : i32
      %dma_start3A_759 = arith.constant 0 : i32
      %dma_start3A_760 = tpu.memref_slice %arg2[%add3A, %dma_start3A_758, %dma_start3A_759] : memref<32x200x128xi32, #tpu.memory_space<hbm>> -> memref<1x200x128xi32, #tpu.memory_space<hbm>>
      %dma_start3A_761 = tpu.memref_squeeze %dma_start3A_760 : memref<1x200x128xi32, #tpu.memory_space<hbm>> -> memref<200x128xi32, #tpu.memory_space<hbm>>
      %dma_start3A_762 = arith.constant 0 : i32
      %dma_start3A_763 = arith.constant 0 : i32
      %dma_start3A_764 = tpu.memref_slice %arg2[%add3A, %dma_start3A_762, %dma_start3A_763] : memref<32x200x128xi32, #tpu.memory_space<hbm>> -> memref<1x200x128xi32, #tpu.memory_space<hbm>>
      %dma_start3A_765 = tpu.memref_squeeze %dma_start3A_764 : memref<1x200x128xi32, #tpu.memory_space<hbm>> -> memref<200x128xi32, #tpu.memory_space<hbm>>
      tpu.enqueue_dma source(%dma_start3A_765 : memref<200x128xi32, #tpu.memory_space<hbm>>) target(%arg5 : memref<200x128xi32, #tpu.memory_space<vmem>>) target_semaphore(%run_scoped3A : memref<!tpu.dma_semaphore, #tpu.memory_space<semaphore_mem>>)
      %dma_wait3A_766 = arith.constant 0 : i32
      %dma_wait3A_767 = arith.constant 0 : i32
      %dma_wait3A_768 = tpu.memref_slice %arg2[%add3A, %dma_wait3A_766, %dma_wait3A_767] : memref<32x200x128xi32, #tpu.memory_space<hbm>> -> memref<1x200x128xi32, #tpu.memory_space<hbm>>
      %dma_wait3A_769 = tpu.memref_squeeze %dma_wait3A_768 : memref<1x200x128xi32, #tpu.memory_space<hbm>> -> memref<200x128xi32, #tpu.memory_space<hbm>>
      %dma_wait3A_770 = arith.constant 0 : i32
      %dma_wait3A_771 = arith.constant 0 : i32
      %dma_wait3A_772 = tpu.memref_slice %arg2[%add3A, %dma_wait3A_770, %dma_wait3A_771] : memref<32x200x128xi32, #tpu.memory_space<hbm>> -> memref<1x200x128xi32, #tpu.memory_space<hbm>>
      %dma_wait3A_773 = tpu.memref_squeeze %dma_wait3A_772 : memref<1x200x128xi32, #tpu.memory_space<hbm>> -> memref<200x128xi32, #tpu.memory_space<hbm>>
      tpu.wait_dma2 semaphore(%run_scoped3A : memref<!tpu.dma_semaphore, #tpu.memory_space<semaphore_mem>>) src(%dma_wait3A_773 : memref<200x128xi32, #tpu.memory_space<hbm>>) dst(%arg5 : memref<200x128xi32, #tpu.memory_space<vmem>>)
      tpu.yield
    }) : () -> ()
    %dma_start3A = arith.constant 0 : i32
    %dma_start3A_3 = arith.constant 0 : i32
    %dma_start3A_4 = arith.constant 0 : i32
    %dma_start3A_5 = arith.constant 0 : i32
    %dma_start3A_6 = arith.constant 0 : i32
    %dma_start3A_7 = tpu.memref_slice %arg6[%dma_start3A_3, %dma_start3A_5, %dma_start3A_6] : memref<4x128x128xf32, #tpu.memory_space<vmem>> -> memref<1x128x128xf32, #tpu.memory_space<vmem>>
    %dma_start3A_8 = tpu.memref_squeeze %dma_start3A_7 : memref<1x128x128xf32, #tpu.memory_space<vmem>> -> memref<128x128xf32, #tpu.memory_space<vmem>>
    %dma_start3A_9 = arith.constant 0 : i32
    %dma_start3A_10 = tpu.memref_slice %arg5[%dma_start3A, %dma_start3A_9] : memref<200x128xi32, #tpu.memory_space<vmem>> -> memref<1x128xi32, #tpu.memory_space<vmem>>
    %dma_start3A_11 = tpu.memref_squeeze %dma_start3A_10 : memref<1x128xi32, #tpu.memory_space<vmem>> -> memref<128xi32, #tpu.memory_space<vmem>>
    %dma_start3A_12 = arith.constant 0 : i32
    %dma_start3A_13 = arith.constant 0 : i32
    %dma_start3A_14 = tpu.memref_slice %arg3[%dma_start3A_12, %dma_start3A_13] : memref<100000x128xf32, #tpu.memory_space<hbm>> -> memref<100000x128xf32, #tpu.memory_space<hbm>>
    %dma_start3A_15 = tpu.memref_slice %arg8[%dma_start3A_4] : memref<4x!tpu.dma_semaphore, #tpu.memory_space<semaphore_mem>> -> memref<1x!tpu.dma_semaphore, #tpu.memory_space<semaphore_mem>>
    %dma_start3A_16 = tpu.memref_squeeze %dma_start3A_15 : memref<1x!tpu.dma_semaphore, #tpu.memory_space<semaphore_mem>> -> memref<!tpu.dma_semaphore, #tpu.memory_space<semaphore_mem>>
    tpu.enqueue_indirect_dma source(%dma_start3A_14 : memref<100000x128xf32, #tpu.memory_space<hbm>>) target(%dma_start3A_8 : memref<128x128xf32, #tpu.memory_space<vmem>>) offsets(%dma_start3A_11 : memref<128xi32, #tpu.memory_space<vmem>>) semaphore(%dma_start3A_16 : memref<!tpu.dma_semaphore, #tpu.memory_space<semaphore_mem>>)
    %dma_start3A_17 = arith.constant 1 : i32
    %dma_start3A_18 = arith.constant 1 : i32
    %dma_start3A_19 = arith.constant 1 : i32
    %dma_start3A_20 = arith.constant 0 : i32
    %dma_start3A_21 = arith.constant 0 : i32
    %dma_start3A_22 = tpu.memref_slice %arg6[%dma_start3A_18, %dma_start3A_20, %dma_start3A_21] : memref<4x128x128xf32, #tpu.memory_space<vmem>> -> memref<1x128x128xf32, #tpu.memory_space<vmem>>
    %dma_start3A_23 = tpu.memref_squeeze %dma_start3A_22 : memref<1x128x128xf32, #tpu.memory_space<vmem>> -> memref<128x128xf32, #tpu.memory_space<vmem>>
    %dma_start3A_24 = arith.constant 0 : i32
    %dma_start3A_25 = tpu.memref_slice %arg5[%dma_start3A_17, %dma_start3A_24] : memref<200x128xi32, #tpu.memory_space<vmem>> -> memref<1x128xi32, #tpu.memory_space<vmem>>
    %dma_start3A_26 = tpu.memref_squeeze %dma_start3A_25 : memref<1x128xi32, #tpu.memory_space<vmem>> -> memref<128xi32, #tpu.memory_space<vmem>>
    %dma_start3A_27 = arith.constant 0 : i32
    %dma_start3A_28 = arith.constant 0 : i32
    %dma_start3A_29 = tpu.memref_slice %arg3[%dma_start3A_27, %dma_start3A_28] : memref<100000x128xf32, #tpu.memory_space<hbm>> -> memref<100000x128xf32, #tpu.memory_space<hbm>>
    %dma_start3A_30 = tpu.memref_slice %arg8[%dma_start3A_19] : memref<4x!tpu.dma_semaphore, #tpu.memory_space<semaphore_mem>> -> memref<1x!tpu.dma_semaphore, #tpu.memory_space<semaphore_mem>>
    %dma_start3A_31 = tpu.memref_squeeze %dma_start3A_30 : memref<1x!tpu.dma_semaphore, #tpu.memory_space<semaphore_mem>> -> memref<!tpu.dma_semaphore, #tpu.memory_space<semaphore_mem>>
    tpu.enqueue_indirect_dma source(%dma_start3A_29 : memref<100000x128xf32, #tpu.memory_space<hbm>>) target(%dma_start3A_23 : memref<128x128xf32, #tpu.memory_space<vmem>>) offsets(%dma_start3A_26 : memref<128xi32, #tpu.memory_space<vmem>>) semaphore(%dma_start3A_31 : memref<!tpu.dma_semaphore, #tpu.memory_space<semaphore_mem>>)
    %dma_start3A_32 = arith.constant 2 : i32
    %dma_start3A_33 = arith.constant 2 : i32
    %dma_start3A_34 = arith.constant 2 : i32
    %dma_start3A_35 = arith.constant 0 : i32
    %dma_start3A_36 = arith.constant 0 : i32
    %dma_start3A_37 = tpu.memref_slice %arg6[%dma_start3A_33, %dma_start3A_35, %dma_start3A_36] : memref<4x128x128xf32, #tpu.memory_space<vmem>> -> memref<1x128x128xf32, #tpu.memory_space<vmem>>
    %dma_start3A_38 = tpu.memref_squeeze %dma_start3A_37 : memref<1x128x128xf32, #tpu.memory_space<vmem>> -> memref<128x128xf32, #tpu.memory_space<vmem>>
    %dma_start3A_39 = arith.constant 0 : i32
    %dma_start3A_40 = tpu.memref_slice %arg5[%dma_start3A_32, %dma_start3A_39] : memref<200x128xi32, #tpu.memory_space<vmem>> -> memref<1x128xi32, #tpu.memory_space<vmem>>
    %dma_start3A_41 = tpu.memref_squeeze %dma_start3A_40 : memref<1x128xi32, #tpu.memory_space<vmem>> -> memref<128xi32, #tpu.memory_space<vmem>>
    %dma_start3A_42 = arith.constant 0 : i32
    %dma_start3A_43 = arith.constant 0 : i32
    %dma_start3A_44 = tpu.memref_slice %arg3[%dma_start3A_42, %dma_start3A_43] : memref<100000x128xf32, #tpu.memory_space<hbm>> -> memref<100000x128xf32, #tpu.memory_space<hbm>>
    %dma_start3A_45 = tpu.memref_slice %arg8[%dma_start3A_34] : memref<4x!tpu.dma_semaphore, #tpu.memory_space<semaphore_mem>> -> memref<1x!tpu.dma_semaphore, #tpu.memory_space<semaphore_mem>>
    %dma_start3A_46 = tpu.memref_squeeze %dma_start3A_45 : memref<1x!tpu.dma_semaphore, #tpu.memory_space<semaphore_mem>> -> memref<!tpu.dma_semaphore, #tpu.memory_space<semaphore_mem>>
    tpu.enqueue_indirect_dma source(%dma_start3A_44 : memref<100000x128xf32, #tpu.memory_space<hbm>>) target(%dma_start3A_38 : memref<128x128xf32, #tpu.memory_space<vmem>>) offsets(%dma_start3A_41 : memref<128xi32, #tpu.memory_space<vmem>>) semaphore(%dma_start3A_46 : memref<!tpu.dma_semaphore, #tpu.memory_space<semaphore_mem>>)
    %dma_wait3A = arith.constant 0 : i32
    %dma_wait3A_47 = arith.constant 0 : i32
    %dma_wait3A_48 = arith.constant 0 : i32
    %dma_wait3A_49 = arith.constant 0 : i32
    %dma_wait3A_50 = arith.constant 0 : i32
    %dma_wait3A_51 = tpu.memref_slice %arg6[%dma_wait3A_47, %dma_wait3A_49, %dma_wait3A_50] : memref<4x128x128xf32, #tpu.memory_space<vmem>> -> memref<1x128x128xf32, #tpu.memory_space<vmem>>
    %dma_wait3A_52 = tpu.memref_squeeze %dma_wait3A_51 : memref<1x128x128xf32, #tpu.memory_space<vmem>> -> memref<128x128xf32, #tpu.memory_space<vmem>>
    %dma_wait3A_53 = arith.constant 0 : i32
    %dma_wait3A_54 = tpu.memref_slice %arg5[%dma_wait3A, %dma_wait3A_53] : memref<200x128xi32, #tpu.memory_space<vmem>> -> memref<1x128xi32, #tpu.memory_space<vmem>>
    %dma_wait3A_55 = tpu.memref_squeeze %dma_wait3A_54 : memref<1x128xi32, #tpu.memory_space<vmem>> -> memref<128xi32, #tpu.memory_space<vmem>>
    %dma_wait3A_56 = arith.constant 0 : i32
    %dma_wait3A_57 = arith.constant 0 : i32
    %dma_wait3A_58 = tpu.memref_slice %arg3[%dma_wait3A_56, %dma_wait3A_57] : memref<100000x128xf32, #tpu.memory_space<hbm>> -> memref<100000x128xf32, #tpu.memory_space<hbm>>
    %dma_wait3A_59 = tpu.memref_slice %arg8[%dma_wait3A_48] : memref<4x!tpu.dma_semaphore, #tpu.memory_space<semaphore_mem>> -> memref<1x!tpu.dma_semaphore, #tpu.memory_space<semaphore_mem>>
    %dma_wait3A_60 = tpu.memref_squeeze %dma_wait3A_59 : memref<1x!tpu.dma_semaphore, #tpu.memory_space<semaphore_mem>> -> memref<!tpu.dma_semaphore, #tpu.memory_space<semaphore_mem>>
    tpu.wait_indirect_dma semaphore(%dma_wait3A_60 : memref<!tpu.dma_semaphore, #tpu.memory_space<semaphore_mem>>) src(%dma_wait3A_58 : memref<100000x128xf32, #tpu.memory_space<hbm>>) dst(%dma_wait3A_52 : memref<128x128xf32, #tpu.memory_space<vmem>>)
    %dma_start3A_61 = arith.constant 0 : i32
    %dma_start3A_62 = arith.constant 0 : i32
    %dma_start3A_63 = arith.constant 0 : i32
    %dma_start3A_64 = arith.constant 0 : i32
    %dma_start3A_65 = arith.constant 0 : i32
    %dma_start3A_66 = tpu.memref_slice %arg6[%dma_start3A_61, %dma_start3A_64, %dma_start3A_65] : memref<4x128x128xf32, #tpu.memory_space<vmem>> -> memref<1x128x128xf32, #tpu.memory_space<vmem>>
    %dma_start3A_67 = tpu.memref_squeeze %dma_start3A_66 : memref<1x128x128xf32, #tpu.memory_space<vmem>> -> memref<128x128xf32, #tpu.memory_space<vmem>>
    %dma_start3A_68 = arith.constant 0 : i32
    %dma_start3A_69 = arith.constant 0 : i32
    %dma_start3A_70 = tpu.memref_slice %arg7[%arg1, %dma_start3A_62, %dma_start3A_68, %dma_start3A_69] : memref<16x2x128x128xf32, #tpu.memory_space<vmem_shared>> -> memref<1x1x128x128xf32, #tpu.memory_space<vmem_shared>>
    %dma_start3A_71 = tpu.memref_squeeze %dma_start3A_70 : memref<1x1x128x128xf32, #tpu.memory_space<vmem_shared>> -> memref<128x128xf32, #tpu.memory_space<vmem_shared>>
    %dma_start3A_72 = tpu.memref_slice %arg9[%dma_start3A_63] : memref<2x!tpu.dma_semaphore, #tpu.memory_space<semaphore_mem>> -> memref<1x!tpu.dma_semaphore, #tpu.memory_space<semaphore_mem>>
    %dma_start3A_73 = tpu.memref_squeeze %dma_start3A_72 : memref<1x!tpu.dma_semaphore, #tpu.memory_space<semaphore_mem>> -> memref<!tpu.dma_semaphore, #tpu.memory_space<semaphore_mem>>
    %dma_start3A_74 = arith.constant 0 : i32
    %dma_start3A_75 = arith.constant 0 : i32
    %dma_start3A_76 = tpu.memref_slice %arg7[%arg1, %dma_start3A_62, %dma_start3A_74, %dma_start3A_75] : memref<16x2x128x128xf32, #tpu.memory_space<vmem_shared>> -> memref<1x1x128x128xf32, #tpu.memory_space<vmem_shared>>
    %dma_start3A_77 = tpu.memref_squeeze %dma_start3A_76 : memref<1x1x128x128xf32, #tpu.memory_space<vmem_shared>> -> memref<128x128xf32, #tpu.memory_space<vmem_shared>>
    %dma_start3A_78 = arith.constant 0 : i32
    %dma_start3A_79 = arith.constant 0 : i32
    %dma_start3A_80 = tpu.memref_slice %arg6[%dma_start3A_61, %dma_start3A_78, %dma_start3A_79] : memref<4x128x128xf32, #tpu.memory_space<vmem>> -> memref<1x128x128xf32, #tpu.memory_space<vmem>>
    %dma_start3A_81 = tpu.memref_squeeze %dma_start3A_80 : memref<1x128x128xf32, #tpu.memory_space<vmem>> -> memref<128x128xf32, #tpu.memory_space<vmem>>
    tpu.enqueue_dma source(%dma_start3A_81 : memref<128x128xf32, #tpu.memory_space<vmem>>) target(%dma_start3A_77 : memref<128x128xf32, #tpu.memory_space<vmem_shared>>) target_semaphore(%dma_start3A_73 : memref<!tpu.dma_semaphore, #tpu.memory_space<semaphore_mem>>)
    %dma_start3A_82 = arith.constant 3 : i32
    %dma_start3A_83 = arith.constant 3 : i32
    %dma_start3A_84 = arith.constant 3 : i32
    %dma_start3A_85 = arith.constant 0 : i32
    %dma_start3A_86 = arith.constant 0 : i32
    %dma_start3A_87 = tpu.memref_slice %arg6[%dma_start3A_83, %dma_start3A_85, %dma_start3A_86] : memref<4x128x128xf32, #tpu.memory_space<vmem>> -> memref<1x128x128xf32, #tpu.memory_space<vmem>>
    %dma_start3A_88 = tpu.memref_squeeze %dma_start3A_87 : memref<1x128x128xf32, #tpu.memory_space<vmem>> -> memref<128x128xf32, #tpu.memory_space<vmem>>
    %dma_start3A_89 = arith.constant 0 : i32
    %dma_start3A_90 = tpu.memref_slice %arg5[%dma_start3A_82, %dma_start3A_89] : memref<200x128xi32, #tpu.memory_space<vmem>> -> memref<1x128xi32, #tpu.memory_space<vmem>>
    %dma_start3A_91 = tpu.memref_squeeze %dma_start3A_90 : memref<1x128xi32, #tpu.memory_space<vmem>> -> memref<128xi32, #tpu.memory_space<vmem>>
    %dma_start3A_92 = arith.constant 0 : i32
    %dma_start3A_93 = arith.constant 0 : i32
    %dma_start3A_94 = tpu.memref_slice %arg3[%dma_start3A_92, %dma_start3A_93] : memref<100000x128xf32, #tpu.memory_space<hbm>> -> memref<100000x128xf32, #tpu.memory_space<hbm>>
    %dma_start3A_95 = tpu.memref_slice %arg8[%dma_start3A_84] : memref<4x!tpu.dma_semaphore, #tpu.memory_space<semaphore_mem>> -> memref<1x!tpu.dma_semaphore, #tpu.memory_space<semaphore_mem>>
    %dma_start3A_96 = tpu.memref_squeeze %dma_start3A_95 : memref<1x!tpu.dma_semaphore, #tpu.memory_space<semaphore_mem>> -> memref<!tpu.dma_semaphore, #tpu.memory_space<semaphore_mem>>
    tpu.enqueue_indirect_dma source(%dma_start3A_94 : memref<100000x128xf32, #tpu.memory_space<hbm>>) target(%dma_start3A_88 : memref<128x128xf32, #tpu.memory_space<vmem>>) offsets(%dma_start3A_91 : memref<128xi32, #tpu.memory_space<vmem>>) semaphore(%dma_start3A_96 : memref<!tpu.dma_semaphore, #tpu.memory_space<semaphore_mem>>)
    %dma_wait3A_97 = arith.constant 0 : i32
    %dma_wait3A_98 = arith.constant 1 : i32
    %dma_wait3A_99 = arith.constant 1 : i32
    %dma_wait3A_100 = arith.constant 0 : i32
    %dma_wait3A_101 = arith.constant 0 : i32
    %dma_wait3A_102 = tpu.memref_slice %arg6[%dma_wait3A_98, %dma_wait3A_100, %dma_wait3A_101] : memref<4x128x128xf32, #tpu.memory_space<vmem>> -> memref<1x128x128xf32, #tpu.memory_space<vmem>>
    %dma_wait3A_103 = tpu.memref_squeeze %dma_wait3A_102 : memref<1x128x128xf32, #tpu.memory_space<vmem>> -> memref<128x128xf32, #tpu.memory_space<vmem>>
    %dma_wait3A_104 = arith.constant 0 : i32
    %dma_wait3A_105 = tpu.memref_slice %arg5[%dma_wait3A_97, %dma_wait3A_104] : memref<200x128xi32, #tpu.memory_space<vmem>> -> memref<1x128xi32, #tpu.memory_space<vmem>>
    %dma_wait3A_106 = tpu.memref_squeeze %dma_wait3A_105 : memref<1x128xi32, #tpu.memory_space<vmem>> -> memref<128xi32, #tpu.memory_space<vmem>>
    %dma_wait3A_107 = arith.constant 0 : i32
    %dma_wait3A_108 = arith.constant 0 : i32
    %dma_wait3A_109 = tpu.memref_slice %arg3[%dma_wait3A_107, %dma_wait3A_108] : memref<100000x128xf32, #tpu.memory_space<hbm>> -> memref<100000x128xf32, #tpu.memory_space<hbm>>
    %dma_wait3A_110 = tpu.memref_slice %arg8[%dma_wait3A_99] : memref<4x!tpu.dma_semaphore, #tpu.memory_space<semaphore_mem>> -> memref<1x!tpu.dma_semaphore, #tpu.memory_space<semaphore_mem>>
    %dma_wait3A_111 = tpu.memref_squeeze %dma_wait3A_110 : memref<1x!tpu.dma_semaphore, #tpu.memory_space<semaphore_mem>> -> memref<!tpu.dma_semaphore, #tpu.memory_space<semaphore_mem>>
    tpu.wait_indirect_dma semaphore(%dma_wait3A_111 : memref<!tpu.dma_semaphore, #tpu.memory_space<semaphore_mem>>) src(%dma_wait3A_109 : memref<100000x128xf32, #tpu.memory_space<hbm>>) dst(%dma_wait3A_103 : memref<128x128xf32, #tpu.memory_space<vmem>>)
    %dma_start3A_112 = arith.constant 1 : i32
    %dma_start3A_113 = arith.constant 1 : i32
    %dma_start3A_114 = arith.constant 1 : i32
    %dma_start3A_115 = arith.constant 0 : i32
    %dma_start3A_116 = arith.constant 0 : i32
    %dma_start3A_117 = tpu.memref_slice %arg6[%dma_start3A_112, %dma_start3A_115, %dma_start3A_116] : memref<4x128x128xf32, #tpu.memory_space<vmem>> -> memref<1x128x128xf32, #tpu.memory_space<vmem>>
    %dma_start3A_118 = tpu.memref_squeeze %dma_start3A_117 : memref<1x128x128xf32, #tpu.memory_space<vmem>> -> memref<128x128xf32, #tpu.memory_space<vmem>>
    %dma_start3A_119 = arith.constant 0 : i32
    %dma_start3A_120 = arith.constant 0 : i32
    %dma_start3A_121 = tpu.memref_slice %arg7[%arg1, %dma_start3A_113, %dma_start3A_119, %dma_start3A_120] : memref<16x2x128x128xf32, #tpu.memory_space<vmem_shared>> -> memref<1x1x128x128xf32, #tpu.memory_space<vmem_shared>>
    %dma_start3A_122 = tpu.memref_squeeze %dma_start3A_121 : memref<1x1x128x128xf32, #tpu.memory_space<vmem_shared>> -> memref<128x128xf32, #tpu.memory_space<vmem_shared>>
    %dma_start3A_123 = tpu.memref_slice %arg9[%dma_start3A_114] : memref<2x!tpu.dma_semaphore, #tpu.memory_space<semaphore_mem>> -> memref<1x!tpu.dma_semaphore, #tpu.memory_space<semaphore_mem>>
    %dma_start3A_124 = tpu.memref_squeeze %dma_start3A_123 : memref<1x!tpu.dma_semaphore, #tpu.memory_space<semaphore_mem>> -> memref<!tpu.dma_semaphore, #tpu.memory_space<semaphore_mem>>
    %dma_start3A_125 = arith.constant 0 : i32
    %dma_start3A_126 = arith.constant 0 : i32
    %dma_start3A_127 = tpu.memref_slice %arg7[%arg1, %dma_start3A_113, %dma_start3A_125, %dma_start3A_126] : memref<16x2x128x128xf32, #tpu.memory_space<vmem_shared>> -> memref<1x1x128x128xf32, #tpu.memory_space<vmem_shared>>
    %dma_start3A_128 = tpu.memref_squeeze %dma_start3A_127 : memref<1x1x128x128xf32, #tpu.memory_space<vmem_shared>> -> memref<128x128xf32, #tpu.memory_space<vmem_shared>>
    %dma_start3A_129 = arith.constant 0 : i32
    %dma_start3A_130 = arith.constant 0 : i32
    %dma_start3A_131 = tpu.memref_slice %arg6[%dma_start3A_112, %dma_start3A_129, %dma_start3A_130] : memref<4x128x128xf32, #tpu.memory_space<vmem>> -> memref<1x128x128xf32, #tpu.memory_space<vmem>>
    %dma_start3A_132 = tpu.memref_squeeze %dma_start3A_131 : memref<1x128x128xf32, #tpu.memory_space<vmem>> -> memref<128x128xf32, #tpu.memory_space<vmem>>
    tpu.enqueue_dma source(%dma_start3A_132 : memref<128x128xf32, #tpu.memory_space<vmem>>) target(%dma_start3A_128 : memref<128x128xf32, #tpu.memory_space<vmem_shared>>) target_semaphore(%dma_start3A_124 : memref<!tpu.dma_semaphore, #tpu.memory_space<semaphore_mem>>)
    %dma_wait3A_133 = arith.constant 0 : i32
    %dma_wait3A_134 = arith.constant 0 : i32
    %dma_wait3A_135 = arith.constant 0 : i32
    %dma_wait3A_136 = arith.constant 0 : i32
    %dma_wait3A_137 = arith.constant 0 : i32
    %dma_wait3A_138 = tpu.memref_slice %arg6[%dma_wait3A_133, %dma_wait3A_136, %dma_wait3A_137] : memref<4x128x128xf32, #tpu.memory_space<vmem>> -> memref<1x128x128xf32, #tpu.memory_space<vmem>>
    %dma_wait3A_139 = tpu.memref_squeeze %dma_wait3A_138 : memref<1x128x128xf32, #tpu.memory_space<vmem>> -> memref<128x128xf32, #tpu.memory_space<vmem>>
    %dma_wait3A_140 = arith.constant 0 : i32
    %dma_wait3A_141 = arith.constant 0 : i32
    %dma_wait3A_142 = tpu.memref_slice %arg7[%arg1, %dma_wait3A_134, %dma_wait3A_140, %dma_wait3A_141] : memref<16x2x128x128xf32, #tpu.memory_space<vmem_shared>> -> memref<1x1x128x128xf32, #tpu.memory_space<vmem_shared>>
    %dma_wait3A_143 = tpu.memref_squeeze %dma_wait3A_142 : memref<1x1x128x128xf32, #tpu.memory_space<vmem_shared>> -> memref<128x128xf32, #tpu.memory_space<vmem_shared>>
    %dma_wait3A_144 = tpu.memref_slice %arg9[%dma_wait3A_135] : memref<2x!tpu.dma_semaphore, #tpu.memory_space<semaphore_mem>> -> memref<1x!tpu.dma_semaphore, #tpu.memory_space<semaphore_mem>>
    %dma_wait3A_145 = tpu.memref_squeeze %dma_wait3A_144 : memref<1x!tpu.dma_semaphore, #tpu.memory_space<semaphore_mem>> -> memref<!tpu.dma_semaphore, #tpu.memory_space<semaphore_mem>>
    %dma_wait3A_146 = arith.constant 0 : i32
    %dma_wait3A_147 = arith.constant 0 : i32
    %dma_wait3A_148 = tpu.memref_slice %arg7[%arg1, %dma_wait3A_134, %dma_wait3A_146, %dma_wait3A_147] : memref<16x2x128x128xf32, #tpu.memory_space<vmem_shared>> -> memref<1x1x128x128xf32, #tpu.memory_space<vmem_shared>>
    %dma_wait3A_149 = tpu.memref_squeeze %dma_wait3A_148 : memref<1x1x128x128xf32, #tpu.memory_space<vmem_shared>> -> memref<128x128xf32, #tpu.memory_space<vmem_shared>>
    %dma_wait3A_150 = arith.constant 0 : i32
    %dma_wait3A_151 = arith.constant 0 : i32
    %dma_wait3A_152 = tpu.memref_slice %arg6[%dma_wait3A_133, %dma_wait3A_150, %dma_wait3A_151] : memref<4x128x128xf32, #tpu.memory_space<vmem>> -> memref<1x128x128xf32, #tpu.memory_space<vmem>>
    %dma_wait3A_153 = tpu.memref_squeeze %dma_wait3A_152 : memref<1x128x128xf32, #tpu.memory_space<vmem>> -> memref<128x128xf32, #tpu.memory_space<vmem>>
    tpu.wait_dma2 semaphore(%dma_wait3A_145 : memref<!tpu.dma_semaphore, #tpu.memory_space<semaphore_mem>>) src(%dma_wait3A_153 : memref<128x128xf32, #tpu.memory_space<vmem>>) dst(%dma_wait3A_149 : memref<128x128xf32, #tpu.memory_space<vmem_shared>>)
    %add3A_154 = arith.constant 0 : i32
    %add3A_155 = arith.addi %mul3A_2, %add3A_154 : i32
    %dma_start3A_156 = arith.constant 0 : i32
    %dma_start3A_157 = arith.constant 0 : i32
    %dma_start3A_158 = tpu.memref_slice %arg10[%dma_start3A_157] : memref<2x!tpu.dma_semaphore, #tpu.memory_space<semaphore_mem>> -> memref<1x!tpu.dma_semaphore, #tpu.memory_space<semaphore_mem>>
    %dma_start3A_159 = tpu.memref_squeeze %dma_start3A_158 : memref<1x!tpu.dma_semaphore, #tpu.memory_space<semaphore_mem>> -> memref<!tpu.dma_semaphore, #tpu.memory_space<semaphore_mem>>
    %dma_start3A_160 = arith.constant 0 : i32
    %dma_start3A_161 = tpu.memref_slice %arg4[%add3A_155, %dma_start3A_160] : memref<819200x128xf32, #tpu.memory_space<hbm>> -> memref<128x128xf32, #tpu.memory_space<hbm>>
    %dma_start3A_162 = arith.constant 0 : i32
    %dma_start3A_163 = arith.constant 0 : i32
    %dma_start3A_164 = tpu.memref_slice %arg7[%arg1, %dma_start3A_156, %dma_start3A_162, %dma_start3A_163] : memref<16x2x128x128xf32, #tpu.memory_space<vmem_shared>> -> memref<1x1x128x128xf32, #tpu.memory_space<vmem_shared>>
    %dma_start3A_165 = tpu.memref_squeeze %dma_start3A_164 : memref<1x1x128x128xf32, #tpu.memory_space<vmem_shared>> -> memref<128x128xf32, #tpu.memory_space<vmem_shared>>
    tpu.enqueue_dma source(%dma_start3A_165 : memref<128x128xf32, #tpu.memory_space<vmem_shared>>) target(%dma_start3A_161 : memref<128x128xf32, #tpu.memory_space<hbm>>) target_semaphore(%dma_start3A_159 : memref<!tpu.dma_semaphore, #tpu.memory_space<semaphore_mem>>)
    %dma_start3A_166 = arith.constant 4 : i32
    %dma_start3A_167 = arith.constant 0 : i32
    %dma_start3A_168 = arith.constant 0 : i32
    %dma_start3A_169 = arith.constant 0 : i32
    %dma_start3A_170 = arith.constant 0 : i32
    %dma_start3A_171 = tpu.memref_slice %arg6[%dma_start3A_167, %dma_start3A_169, %dma_start3A_170] : memref<4x128x128xf32, #tpu.memory_space<vmem>> -> memref<1x128x128xf32, #tpu.memory_space<vmem>>
    %dma_start3A_172 = tpu.memref_squeeze %dma_start3A_171 : memref<1x128x128xf32, #tpu.memory_space<vmem>> -> memref<128x128xf32, #tpu.memory_space<vmem>>
    %dma_start3A_173 = arith.constant 0 : i32
    %dma_start3A_174 = tpu.memref_slice %arg5[%dma_start3A_166, %dma_start3A_173] : memref<200x128xi32, #tpu.memory_space<vmem>> -> memref<1x128xi32, #tpu.memory_space<vmem>>
    %dma_start3A_175 = tpu.memref_squeeze %dma_start3A_174 : memref<1x128xi32, #tpu.memory_space<vmem>> -> memref<128xi32, #tpu.memory_space<vmem>>
    %dma_start3A_176 = arith.constant 0 : i32
    %dma_start3A_177 = arith.constant 0 : i32
    %dma_start3A_178 = tpu.memref_slice %arg3[%dma_start3A_176, %dma_start3A_177] : memref<100000x128xf32, #tpu.memory_space<hbm>> -> memref<100000x128xf32, #tpu.memory_space<hbm>>
    %dma_start3A_179 = tpu.memref_slice %arg8[%dma_start3A_168] : memref<4x!tpu.dma_semaphore, #tpu.memory_space<semaphore_mem>> -> memref<1x!tpu.dma_semaphore, #tpu.memory_space<semaphore_mem>>
    %dma_start3A_180 = tpu.memref_squeeze %dma_start3A_179 : memref<1x!tpu.dma_semaphore, #tpu.memory_space<semaphore_mem>> -> memref<!tpu.dma_semaphore, #tpu.memory_space<semaphore_mem>>
    tpu.enqueue_indirect_dma source(%dma_start3A_178 : memref<100000x128xf32, #tpu.memory_space<hbm>>) target(%dma_start3A_172 : memref<128x128xf32, #tpu.memory_space<vmem>>) offsets(%dma_start3A_175 : memref<128xi32, #tpu.memory_space<vmem>>) semaphore(%dma_start3A_180 : memref<!tpu.dma_semaphore, #tpu.memory_space<semaphore_mem>>)
    %dma_wait3A_181 = arith.constant 0 : i32
    %dma_wait3A_182 = arith.constant 2 : i32
    %dma_wait3A_183 = arith.constant 2 : i32
    %dma_wait3A_184 = arith.constant 0 : i32
    %dma_wait3A_185 = arith.constant 0 : i32
    %dma_wait3A_186 = tpu.memref_slice %arg6[%dma_wait3A_182, %dma_wait3A_184, %dma_wait3A_185] : memref<4x128x128xf32, #tpu.memory_space<vmem>> -> memref<1x128x128xf32, #tpu.memory_space<vmem>>
    %dma_wait3A_187 = tpu.memref_squeeze %dma_wait3A_186 : memref<1x128x128xf32, #tpu.memory_space<vmem>> -> memref<128x128xf32, #tpu.memory_space<vmem>>
    %dma_wait3A_188 = arith.constant 0 : i32
    %dma_wait3A_189 = tpu.memref_slice %arg5[%dma_wait3A_181, %dma_wait3A_188] : memref<200x128xi32, #tpu.memory_space<vmem>> -> memref<1x128xi32, #tpu.memory_space<vmem>>
    %dma_wait3A_190 = tpu.memref_squeeze %dma_wait3A_189 : memref<1x128xi32, #tpu.memory_space<vmem>> -> memref<128xi32, #tpu.memory_space<vmem>>
    %dma_wait3A_191 = arith.constant 0 : i32
    %dma_wait3A_192 = arith.constant 0 : i32
    %dma_wait3A_193 = tpu.memref_slice %arg3[%dma_wait3A_191, %dma_wait3A_192] : memref<100000x128xf32, #tpu.memory_space<hbm>> -> memref<100000x128xf32, #tpu.memory_space<hbm>>
    %dma_wait3A_194 = tpu.memref_slice %arg8[%dma_wait3A_183] : memref<4x!tpu.dma_semaphore, #tpu.memory_space<semaphore_mem>> -> memref<1x!tpu.dma_semaphore, #tpu.memory_space<semaphore_mem>>
    %dma_wait3A_195 = tpu.memref_squeeze %dma_wait3A_194 : memref<1x!tpu.dma_semaphore, #tpu.memory_space<semaphore_mem>> -> memref<!tpu.dma_semaphore, #tpu.memory_space<semaphore_mem>>
    tpu.wait_indirect_dma semaphore(%dma_wait3A_195 : memref<!tpu.dma_semaphore, #tpu.memory_space<semaphore_mem>>) src(%dma_wait3A_193 : memref<100000x128xf32, #tpu.memory_space<hbm>>) dst(%dma_wait3A_187 : memref<128x128xf32, #tpu.memory_space<vmem>>)
    %dma_wait3A_196 = arith.constant 0 : i32
    %dma_wait3A_197 = arith.constant 0 : i32
    %dma_wait3A_198 = tpu.memref_slice %arg10[%dma_wait3A_197] : memref<2x!tpu.dma_semaphore, #tpu.memory_space<semaphore_mem>> -> memref<1x!tpu.dma_semaphore, #tpu.memory_space<semaphore_mem>>
    %dma_wait3A_199 = tpu.memref_squeeze %dma_wait3A_198 : memref<1x!tpu.dma_semaphore, #tpu.memory_space<semaphore_mem>> -> memref<!tpu.dma_semaphore, #tpu.memory_space<semaphore_mem>>
    %dma_wait3A_200 = arith.constant 0 : i32
    %dma_wait3A_201 = tpu.memref_slice %arg4[%mul3A_2, %dma_wait3A_200] : memref<819200x128xf32, #tpu.memory_space<hbm>> -> memref<128x128xf32, #tpu.memory_space<hbm>>
    %dma_wait3A_202 = arith.constant 0 : i32
    %dma_wait3A_203 = arith.constant 0 : i32
    %dma_wait3A_204 = tpu.memref_slice %arg7[%arg1, %dma_wait3A_196, %dma_wait3A_202, %dma_wait3A_203] : memref<16x2x128x128xf32, #tpu.memory_space<vmem_shared>> -> memref<1x1x128x128xf32, #tpu.memory_space<vmem_shared>>
    %dma_wait3A_205 = tpu.memref_squeeze %dma_wait3A_204 : memref<1x1x128x128xf32, #tpu.memory_space<vmem_shared>> -> memref<128x128xf32, #tpu.memory_space<vmem_shared>>
    tpu.wait_dma2 semaphore(%dma_wait3A_199 : memref<!tpu.dma_semaphore, #tpu.memory_space<semaphore_mem>>) src(%dma_wait3A_205 : memref<128x128xf32, #tpu.memory_space<vmem_shared>>) dst(%dma_wait3A_201 : memref<128x128xf32, #tpu.memory_space<hbm>>)
    %dma_start3A_206 = arith.constant 2 : i32
    %dma_start3A_207 = arith.constant 0 : i32
    %dma_start3A_208 = arith.constant 0 : i32
    %dma_start3A_209 = arith.constant 0 : i32
    %dma_start3A_210 = arith.constant 0 : i32
    %dma_start3A_211 = tpu.memref_slice %arg6[%dma_start3A_206, %dma_start3A_209, %dma_start3A_210] : memref<4x128x128xf32, #tpu.memory_space<vmem>> -> memref<1x128x128xf32, #tpu.memory_space<vmem>>
    %dma_start3A_212 = tpu.memref_squeeze %dma_start3A_211 : memref<1x128x128xf32, #tpu.memory_space<vmem>> -> memref<128x128xf32, #tpu.memory_space<vmem>>
    %dma_start3A_213 = arith.constant 0 : i32
    %dma_start3A_214 = arith.constant 0 : i32
    %dma_start3A_215 = tpu.memref_slice %arg7[%arg1, %dma_start3A_207, %dma_start3A_213, %dma_start3A_214] : memref<16x2x128x128xf32, #tpu.memory_space<vmem_shared>> -> memref<1x1x128x128xf32, #tpu.memory_space<vmem_shared>>
    %dma_start3A_216 = tpu.memref_squeeze %dma_start3A_215 : memref<1x1x128x128xf32, #tpu.memory_space<vmem_shared>> -> memref<128x128xf32, #tpu.memory_space<vmem_shared>>
    %dma_start3A_217 = tpu.memref_slice %arg9[%dma_start3A_208] : memref<2x!tpu.dma_semaphore, #tpu.memory_space<semaphore_mem>> -> memref<1x!tpu.dma_semaphore, #tpu.memory_space<semaphore_mem>>
    %dma_start3A_218 = tpu.memref_squeeze %dma_start3A_217 : memref<1x!tpu.dma_semaphore, #tpu.memory_space<semaphore_mem>> -> memref<!tpu.dma_semaphore, #tpu.memory_space<semaphore_mem>>
    %dma_start3A_219 = arith.constant 0 : i32
    %dma_start3A_220 = arith.constant 0 : i32
    %dma_start3A_221 = tpu.memref_slice %arg7[%arg1, %dma_start3A_207, %dma_start3A_219, %dma_start3A_220] : memref<16x2x128x128xf32, #tpu.memory_space<vmem_shared>> -> memref<1x1x128x128xf32, #tpu.memory_space<vmem_shared>>
    %dma_start3A_222 = tpu.memref_squeeze %dma_start3A_221 : memref<1x1x128x128xf32, #tpu.memory_space<vmem_shared>> -> memref<128x128xf32, #tpu.memory_space<vmem_shared>>
    %dma_start3A_223 = arith.constant 0 : i32
    %dma_start3A_224 = arith.constant 0 : i32
    %dma_start3A_225 = tpu.memref_slice %arg6[%dma_start3A_206, %dma_start3A_223, %dma_start3A_224] : memref<4x128x128xf32, #tpu.memory_space<vmem>> -> memref<1x128x128xf32, #tpu.memory_space<vmem>>
    %dma_start3A_226 = tpu.memref_squeeze %dma_start3A_225 : memref<1x128x128xf32, #tpu.memory_space<vmem>> -> memref<128x128xf32, #tpu.memory_space<vmem>>
    tpu.enqueue_dma source(%dma_start3A_226 : memref<128x128xf32, #tpu.memory_space<vmem>>) target(%dma_start3A_222 : memref<128x128xf32, #tpu.memory_space<vmem_shared>>) target_semaphore(%dma_start3A_218 : memref<!tpu.dma_semaphore, #tpu.memory_space<semaphore_mem>>)
    %dma_wait3A_227 = arith.constant 0 : i32
    %dma_wait3A_228 = arith.constant 1 : i32
    %dma_wait3A_229 = arith.constant 1 : i32
    %dma_wait3A_230 = arith.constant 0 : i32
    %dma_wait3A_231 = arith.constant 0 : i32
    %dma_wait3A_232 = tpu.memref_slice %arg6[%dma_wait3A_227, %dma_wait3A_230, %dma_wait3A_231] : memref<4x128x128xf32, #tpu.memory_space<vmem>> -> memref<1x128x128xf32, #tpu.memory_space<vmem>>
    %dma_wait3A_233 = tpu.memref_squeeze %dma_wait3A_232 : memref<1x128x128xf32, #tpu.memory_space<vmem>> -> memref<128x128xf32, #tpu.memory_space<vmem>>
    %dma_wait3A_234 = arith.constant 0 : i32
    %dma_wait3A_235 = arith.constant 0 : i32
    %dma_wait3A_236 = tpu.memref_slice %arg7[%arg1, %dma_wait3A_228, %dma_wait3A_234, %dma_wait3A_235] : memref<16x2x128x128xf32, #tpu.memory_space<vmem_shared>> -> memref<1x1x128x128xf32, #tpu.memory_space<vmem_shared>>
    %dma_wait3A_237 = tpu.memref_squeeze %dma_wait3A_236 : memref<1x1x128x128xf32, #tpu.memory_space<vmem_shared>> -> memref<128x128xf32, #tpu.memory_space<vmem_shared>>
    %dma_wait3A_238 = tpu.memref_slice %arg9[%dma_wait3A_229] : memref<2x!tpu.dma_semaphore, #tpu.memory_space<semaphore_mem>> -> memref<1x!tpu.dma_semaphore, #tpu.memory_space<semaphore_mem>>
    %dma_wait3A_239 = tpu.memref_squeeze %dma_wait3A_238 : memref<1x!tpu.dma_semaphore, #tpu.memory_space<semaphore_mem>> -> memref<!tpu.dma_semaphore, #tpu.memory_space<semaphore_mem>>
    %dma_wait3A_240 = arith.constant 0 : i32
    %dma_wait3A_241 = arith.constant 0 : i32
    %dma_wait3A_242 = tpu.memref_slice %arg7[%arg1, %dma_wait3A_228, %dma_wait3A_240, %dma_wait3A_241] : memref<16x2x128x128xf32, #tpu.memory_space<vmem_shared>> -> memref<1x1x128x128xf32, #tpu.memory_space<vmem_shared>>
    %dma_wait3A_243 = tpu.memref_squeeze %dma_wait3A_242 : memref<1x1x128x128xf32, #tpu.memory_space<vmem_shared>> -> memref<128x128xf32, #tpu.memory_space<vmem_shared>>
    %dma_wait3A_244 = arith.constant 0 : i32
    %dma_wait3A_245 = arith.constant 0 : i32
    %dma_wait3A_246 = tpu.memref_slice %arg6[%dma_wait3A_227, %dma_wait3A_244, %dma_wait3A_245] : memref<4x128x128xf32, #tpu.memory_space<vmem>> -> memref<1x128x128xf32, #tpu.memory_space<vmem>>
    %dma_wait3A_247 = tpu.memref_squeeze %dma_wait3A_246 : memref<1x128x128xf32, #tpu.memory_space<vmem>> -> memref<128x128xf32, #tpu.memory_space<vmem>>
    tpu.wait_dma2 semaphore(%dma_wait3A_239 : memref<!tpu.dma_semaphore, #tpu.memory_space<semaphore_mem>>) src(%dma_wait3A_247 : memref<128x128xf32, #tpu.memory_space<vmem>>) dst(%dma_wait3A_243 : memref<128x128xf32, #tpu.memory_space<vmem_shared>>)
    %add3A_248 = arith.constant 128 : i32
    %add3A_249 = arith.addi %mul3A_2, %add3A_248 : i32
    %dma_start3A_250 = arith.constant 1 : i32
    %dma_start3A_251 = arith.constant 1 : i32
    %dma_start3A_252 = tpu.memref_slice %arg10[%dma_start3A_251] : memref<2x!tpu.dma_semaphore, #tpu.memory_space<semaphore_mem>> -> memref<1x!tpu.dma_semaphore, #tpu.memory_space<semaphore_mem>>
    %dma_start3A_253 = tpu.memref_squeeze %dma_start3A_252 : memref<1x!tpu.dma_semaphore, #tpu.memory_space<semaphore_mem>> -> memref<!tpu.dma_semaphore, #tpu.memory_space<semaphore_mem>>
    %dma_start3A_254 = arith.constant 0 : i32
    %dma_start3A_255 = tpu.memref_slice %arg4[%add3A_249, %dma_start3A_254] : memref<819200x128xf32, #tpu.memory_space<hbm>> -> memref<128x128xf32, #tpu.memory_space<hbm>>
    %dma_start3A_256 = arith.constant 0 : i32
    %dma_start3A_257 = arith.constant 0 : i32
    %dma_start3A_258 = tpu.memref_slice %arg7[%arg1, %dma_start3A_250, %dma_start3A_256, %dma_start3A_257] : memref<16x2x128x128xf32, #tpu.memory_space<vmem_shared>> -> memref<1x1x128x128xf32, #tpu.memory_space<vmem_shared>>
    %dma_start3A_259 = tpu.memref_squeeze %dma_start3A_258 : memref<1x1x128x128xf32, #tpu.memory_space<vmem_shared>> -> memref<128x128xf32, #tpu.memory_space<vmem_shared>>
    tpu.enqueue_dma source(%dma_start3A_259 : memref<128x128xf32, #tpu.memory_space<vmem_shared>>) target(%dma_start3A_255 : memref<128x128xf32, #tpu.memory_space<hbm>>) target_semaphore(%dma_start3A_253 : memref<!tpu.dma_semaphore, #tpu.memory_space<semaphore_mem>>)
    %dma_start3A_260 = arith.constant 5 : i32
    %dma_start3A_261 = arith.constant 1 : i32
    %dma_start3A_262 = arith.constant 1 : i32
    %dma_start3A_263 = arith.constant 0 : i32
    %dma_start3A_264 = arith.constant 0 : i32
    %dma_start3A_265 = tpu.memref_slice %arg6[%dma_start3A_261, %dma_start3A_263, %dma_start3A_264] : memref<4x128x128xf32, #tpu.memory_space<vmem>> -> memref<1x128x128xf32, #tpu.memory_space<vmem>>
    %dma_start3A_266 = tpu.memref_squeeze %dma_start3A_265 : memref<1x128x128xf32, #tpu.memory_space<vmem>> -> memref<128x128xf32, #tpu.memory_space<vmem>>
    %dma_start3A_267 = arith.constant 0 : i32
    %dma_start3A_268 = tpu.memref_slice %arg5[%dma_start3A_260, %dma_start3A_267] : memref<200x128xi32, #tpu.memory_space<vmem>> -> memref<1x128xi32, #tpu.memory_space<vmem>>
    %dma_start3A_269 = tpu.memref_squeeze %dma_start3A_268 : memref<1x128xi32, #tpu.memory_space<vmem>> -> memref<128xi32, #tpu.memory_space<vmem>>
    %dma_start3A_270 = arith.constant 0 : i32
    %dma_start3A_271 = arith.constant 0 : i32
    %dma_start3A_272 = tpu.memref_slice %arg3[%dma_start3A_270, %dma_start3A_271] : memref<100000x128xf32, #tpu.memory_space<hbm>> -> memref<100000x128xf32, #tpu.memory_space<hbm>>
    %dma_start3A_273 = tpu.memref_slice %arg8[%dma_start3A_262] : memref<4x!tpu.dma_semaphore, #tpu.memory_space<semaphore_mem>> -> memref<1x!tpu.dma_semaphore, #tpu.memory_space<semaphore_mem>>
    %dma_start3A_274 = tpu.memref_squeeze %dma_start3A_273 : memref<1x!tpu.dma_semaphore, #tpu.memory_space<semaphore_mem>> -> memref<!tpu.dma_semaphore, #tpu.memory_space<semaphore_mem>>
    tpu.enqueue_indirect_dma source(%dma_start3A_272 : memref<100000x128xf32, #tpu.memory_space<hbm>>) target(%dma_start3A_266 : memref<128x128xf32, #tpu.memory_space<vmem>>) offsets(%dma_start3A_269 : memref<128xi32, #tpu.memory_space<vmem>>) semaphore(%dma_start3A_274 : memref<!tpu.dma_semaphore, #tpu.memory_space<semaphore_mem>>)
    %dma_wait3A_275 = arith.constant 0 : i32
    %dma_wait3A_276 = arith.constant 3 : i32
    %dma_wait3A_277 = arith.constant 3 : i32
    %dma_wait3A_278 = arith.constant 0 : i32
    %dma_wait3A_279 = arith.constant 0 : i32
    %dma_wait3A_280 = tpu.memref_slice %arg6[%dma_wait3A_276, %dma_wait3A_278, %dma_wait3A_279] : memref<4x128x128xf32, #tpu.memory_space<vmem>> -> memref<1x128x128xf32, #tpu.memory_space<vmem>>
    %dma_wait3A_281 = tpu.memref_squeeze %dma_wait3A_280 : memref<1x128x128xf32, #tpu.memory_space<vmem>> -> memref<128x128xf32, #tpu.memory_space<vmem>>
    %dma_wait3A_282 = arith.constant 0 : i32
    %dma_wait3A_283 = tpu.memref_slice %arg5[%dma_wait3A_275, %dma_wait3A_282] : memref<200x128xi32, #tpu.memory_space<vmem>> -> memref<1x128xi32, #tpu.memory_space<vmem>>
    %dma_wait3A_284 = tpu.memref_squeeze %dma_wait3A_283 : memref<1x128xi32, #tpu.memory_space<vmem>> -> memref<128xi32, #tpu.memory_space<vmem>>
    %dma_wait3A_285 = arith.constant 0 : i32
    %dma_wait3A_286 = arith.constant 0 : i32
    %dma_wait3A_287 = tpu.memref_slice %arg3[%dma_wait3A_285, %dma_wait3A_286] : memref<100000x128xf32, #tpu.memory_space<hbm>> -> memref<100000x128xf32, #tpu.memory_space<hbm>>
    %dma_wait3A_288 = tpu.memref_slice %arg8[%dma_wait3A_277] : memref<4x!tpu.dma_semaphore, #tpu.memory_space<semaphore_mem>> -> memref<1x!tpu.dma_semaphore, #tpu.memory_space<semaphore_mem>>
    %dma_wait3A_289 = tpu.memref_squeeze %dma_wait3A_288 : memref<1x!tpu.dma_semaphore, #tpu.memory_space<semaphore_mem>> -> memref<!tpu.dma_semaphore, #tpu.memory_space<semaphore_mem>>
    tpu.wait_indirect_dma semaphore(%dma_wait3A_289 : memref<!tpu.dma_semaphore, #tpu.memory_space<semaphore_mem>>) src(%dma_wait3A_287 : memref<100000x128xf32, #tpu.memory_space<hbm>>) dst(%dma_wait3A_281 : memref<128x128xf32, #tpu.memory_space<vmem>>)
    %dma_wait3A_290 = arith.constant 1 : i32
    %dma_wait3A_291 = arith.constant 1 : i32
    %dma_wait3A_292 = tpu.memref_slice %arg10[%dma_wait3A_291] : memref<2x!tpu.dma_semaphore, #tpu.memory_space<semaphore_mem>> -> memref<1x!tpu.dma_semaphore, #tpu.memory_space<semaphore_mem>>
    %dma_wait3A_293 = tpu.memref_squeeze %dma_wait3A_292 : memref<1x!tpu.dma_semaphore, #tpu.memory_space<semaphore_mem>> -> memref<!tpu.dma_semaphore, #tpu.memory_space<semaphore_mem>>
    %dma_wait3A_294 = arith.constant 0 : i32
    %dma_wait3A_295 = tpu.memref_slice %arg4[%mul3A_2, %dma_wait3A_294] : memref<819200x128xf32, #tpu.memory_space<hbm>> -> memref<128x128xf32, #tpu.memory_space<hbm>>
    %dma_wait3A_296 = arith.constant 0 : i32
    %dma_wait3A_297 = arith.constant 0 : i32
    %dma_wait3A_298 = tpu.memref_slice %arg7[%arg1, %dma_wait3A_290, %dma_wait3A_296, %dma_wait3A_297] : memref<16x2x128x128xf32, #tpu.memory_space<vmem_shared>> -> memref<1x1x128x128xf32, #tpu.memory_space<vmem_shared>>
    %dma_wait3A_299 = tpu.memref_squeeze %dma_wait3A_298 : memref<1x1x128x128xf32, #tpu.memory_space<vmem_shared>> -> memref<128x128xf32, #tpu.memory_space<vmem_shared>>
    tpu.wait_dma2 semaphore(%dma_wait3A_293 : memref<!tpu.dma_semaphore, #tpu.memory_space<semaphore_mem>>) src(%dma_wait3A_299 : memref<128x128xf32, #tpu.memory_space<vmem_shared>>) dst(%dma_wait3A_295 : memref<128x128xf32, #tpu.memory_space<hbm>>)
    %dma_start3A_300 = arith.constant 3 : i32
    %dma_start3A_301 = arith.constant 1 : i32
    %dma_start3A_302 = arith.constant 1 : i32
    %dma_start3A_303 = arith.constant 0 : i32
    %dma_start3A_304 = arith.constant 0 : i32
    %dma_start3A_305 = tpu.memref_slice %arg6[%dma_start3A_300, %dma_start3A_303, %dma_start3A_304] : memref<4x128x128xf32, #tpu.memory_space<vmem>> -> memref<1x128x128xf32, #tpu.memory_space<vmem>>
    %dma_start3A_306 = tpu.memref_squeeze %dma_start3A_305 : memref<1x128x128xf32, #tpu.memory_space<vmem>> -> memref<128x128xf32, #tpu.memory_space<vmem>>
    %dma_start3A_307 = arith.constant 0 : i32
    %dma_start3A_308 = arith.constant 0 : i32
    %dma_start3A_309 = tpu.memref_slice %arg7[%arg1, %dma_start3A_301, %dma_start3A_307, %dma_start3A_308] : memref<16x2x128x128xf32, #tpu.memory_space<vmem_shared>> -> memref<1x1x128x128xf32, #tpu.memory_space<vmem_shared>>
    %dma_start3A_310 = tpu.memref_squeeze %dma_start3A_309 : memref<1x1x128x128xf32, #tpu.memory_space<vmem_shared>> -> memref<128x128xf32, #tpu.memory_space<vmem_shared>>
    %dma_start3A_311 = tpu.memref_slice %arg9[%dma_start3A_302] : memref<2x!tpu.dma_semaphore, #tpu.memory_space<semaphore_mem>> -> memref<1x!tpu.dma_semaphore, #tpu.memory_space<semaphore_mem>>
    %dma_start3A_312 = tpu.memref_squeeze %dma_start3A_311 : memref<1x!tpu.dma_semaphore, #tpu.memory_space<semaphore_mem>> -> memref<!tpu.dma_semaphore, #tpu.memory_space<semaphore_mem>>
    %dma_start3A_313 = arith.constant 0 : i32
    %dma_start3A_314 = arith.constant 0 : i32
    %dma_start3A_315 = tpu.memref_slice %arg7[%arg1, %dma_start3A_301, %dma_start3A_313, %dma_start3A_314] : memref<16x2x128x128xf32, #tpu.memory_space<vmem_shared>> -> memref<1x1x128x128xf32, #tpu.memory_space<vmem_shared>>
    %dma_start3A_316 = tpu.memref_squeeze %dma_start3A_315 : memref<1x1x128x128xf32, #tpu.memory_space<vmem_shared>> -> memref<128x128xf32, #tpu.memory_space<vmem_shared>>
    %dma_start3A_317 = arith.constant 0 : i32
    %dma_start3A_318 = arith.constant 0 : i32
    %dma_start3A_319 = tpu.memref_slice %arg6[%dma_start3A_300, %dma_start3A_317, %dma_start3A_318] : memref<4x128x128xf32, #tpu.memory_space<vmem>> -> memref<1x128x128xf32, #tpu.memory_space<vmem>>
    %dma_start3A_320 = tpu.memref_squeeze %dma_start3A_319 : memref<1x128x128xf32, #tpu.memory_space<vmem>> -> memref<128x128xf32, #tpu.memory_space<vmem>>
    tpu.enqueue_dma source(%dma_start3A_320 : memref<128x128xf32, #tpu.memory_space<vmem>>) target(%dma_start3A_316 : memref<128x128xf32, #tpu.memory_space<vmem_shared>>) target_semaphore(%dma_start3A_312 : memref<!tpu.dma_semaphore, #tpu.memory_space<semaphore_mem>>)
    %dma_wait3A_321 = arith.constant 0 : i32
    %dma_wait3A_322 = arith.constant 0 : i32
    %dma_wait3A_323 = arith.constant 0 : i32
    %dma_wait3A_324 = arith.constant 0 : i32
    %dma_wait3A_325 = arith.constant 0 : i32
    %dma_wait3A_326 = tpu.memref_slice %arg6[%dma_wait3A_321, %dma_wait3A_324, %dma_wait3A_325] : memref<4x128x128xf32, #tpu.memory_space<vmem>> -> memref<1x128x128xf32, #tpu.memory_space<vmem>>
    %dma_wait3A_327 = tpu.memref_squeeze %dma_wait3A_326 : memref<1x128x128xf32, #tpu.memory_space<vmem>> -> memref<128x128xf32, #tpu.memory_space<vmem>>
    %dma_wait3A_328 = arith.constant 0 : i32
    %dma_wait3A_329 = arith.constant 0 : i32
    %dma_wait3A_330 = tpu.memref_slice %arg7[%arg1, %dma_wait3A_322, %dma_wait3A_328, %dma_wait3A_329] : memref<16x2x128x128xf32, #tpu.memory_space<vmem_shared>> -> memref<1x1x128x128xf32, #tpu.memory_space<vmem_shared>>
    %dma_wait3A_331 = tpu.memref_squeeze %dma_wait3A_330 : memref<1x1x128x128xf32, #tpu.memory_space<vmem_shared>> -> memref<128x128xf32, #tpu.memory_space<vmem_shared>>
    %dma_wait3A_332 = tpu.memref_slice %arg9[%dma_wait3A_323] : memref<2x!tpu.dma_semaphore, #tpu.memory_space<semaphore_mem>> -> memref<1x!tpu.dma_semaphore, #tpu.memory_space<semaphore_mem>>
    %dma_wait3A_333 = tpu.memref_squeeze %dma_wait3A_332 : memref<1x!tpu.dma_semaphore, #tpu.memory_space<semaphore_mem>> -> memref<!tpu.dma_semaphore, #tpu.memory_space<semaphore_mem>>
    %dma_wait3A_334 = arith.constant 0 : i32
    %dma_wait3A_335 = arith.constant 0 : i32
    %dma_wait3A_336 = tpu.memref_slice %arg7[%arg1, %dma_wait3A_322, %dma_wait3A_334, %dma_wait3A_335] : memref<16x2x128x128xf32, #tpu.memory_space<vmem_shared>> -> memref<1x1x128x128xf32, #tpu.memory_space<vmem_shared>>
    %dma_wait3A_337 = tpu.memref_squeeze %dma_wait3A_336 : memref<1x1x128x128xf32, #tpu.memory_space<vmem_shared>> -> memref<128x128xf32, #tpu.memory_space<vmem_shared>>
    %dma_wait3A_338 = arith.constant 0 : i32
    %dma_wait3A_339 = arith.constant 0 : i32
    %dma_wait3A_340 = tpu.memref_slice %arg6[%dma_wait3A_321, %dma_wait3A_338, %dma_wait3A_339] : memref<4x128x128xf32, #tpu.memory_space<vmem>> -> memref<1x128x128xf32, #tpu.memory_space<vmem>>
    %dma_wait3A_341 = tpu.memref_squeeze %dma_wait3A_340 : memref<1x128x128xf32, #tpu.memory_space<vmem>> -> memref<128x128xf32, #tpu.memory_space<vmem>>
    tpu.wait_dma2 semaphore(%dma_wait3A_333 : memref<!tpu.dma_semaphore, #tpu.memory_space<semaphore_mem>>) src(%dma_wait3A_341 : memref<128x128xf32, #tpu.memory_space<vmem>>) dst(%dma_wait3A_337 : memref<128x128xf32, #tpu.memory_space<vmem_shared>>)
    %add3A_342 = arith.constant 256 : i32
    %add3A_343 = arith.addi %mul3A_2, %add3A_342 : i32
    %dma_start3A_344 = arith.constant 0 : i32
    %dma_start3A_345 = arith.constant 0 : i32
    %dma_start3A_346 = tpu.memref_slice %arg10[%dma_start3A_345] : memref<2x!tpu.dma_semaphore, #tpu.memory_space<semaphore_mem>> -> memref<1x!tpu.dma_semaphore, #tpu.memory_space<semaphore_mem>>
    %dma_start3A_347 = tpu.memref_squeeze %dma_start3A_346 : memref<1x!tpu.dma_semaphore, #tpu.memory_space<semaphore_mem>> -> memref<!tpu.dma_semaphore, #tpu.memory_space<semaphore_mem>>
    %dma_start3A_348 = arith.constant 0 : i32
    %dma_start3A_349 = tpu.memref_slice %arg4[%add3A_343, %dma_start3A_348] : memref<819200x128xf32, #tpu.memory_space<hbm>> -> memref<128x128xf32, #tpu.memory_space<hbm>>
    %dma_start3A_350 = arith.constant 0 : i32
    %dma_start3A_351 = arith.constant 0 : i32
    %dma_start3A_352 = tpu.memref_slice %arg7[%arg1, %dma_start3A_344, %dma_start3A_350, %dma_start3A_351] : memref<16x2x128x128xf32, #tpu.memory_space<vmem_shared>> -> memref<1x1x128x128xf32, #tpu.memory_space<vmem_shared>>
    %dma_start3A_353 = tpu.memref_squeeze %dma_start3A_352 : memref<1x1x128x128xf32, #tpu.memory_space<vmem_shared>> -> memref<128x128xf32, #tpu.memory_space<vmem_shared>>
    tpu.enqueue_dma source(%dma_start3A_353 : memref<128x128xf32, #tpu.memory_space<vmem_shared>>) target(%dma_start3A_349 : memref<128x128xf32, #tpu.memory_space<hbm>>) target_semaphore(%dma_start3A_347 : memref<!tpu.dma_semaphore, #tpu.memory_space<semaphore_mem>>)
    %dma_start3A_354 = arith.constant 6 : i32
    %dma_start3A_355 = arith.constant 2 : i32
    %dma_start3A_356 = arith.constant 2 : i32
    %dma_start3A_357 = arith.constant 0 : i32
    %dma_start3A_358 = arith.constant 0 : i32
    %dma_start3A_359 = tpu.memref_slice %arg6[%dma_start3A_355, %dma_start3A_357, %dma_start3A_358] : memref<4x128x128xf32, #tpu.memory_space<vmem>> -> memref<1x128x128xf32, #tpu.memory_space<vmem>>
    %dma_start3A_360 = tpu.memref_squeeze %dma_start3A_359 : memref<1x128x128xf32, #tpu.memory_space<vmem>> -> memref<128x128xf32, #tpu.memory_space<vmem>>
    %dma_start3A_361 = arith.constant 0 : i32
    %dma_start3A_362 = tpu.memref_slice %arg5[%dma_start3A_354, %dma_start3A_361] : memref<200x128xi32, #tpu.memory_space<vmem>> -> memref<1x128xi32, #tpu.memory_space<vmem>>
    %dma_start3A_363 = tpu.memref_squeeze %dma_start3A_362 : memref<1x128xi32, #tpu.memory_space<vmem>> -> memref<128xi32, #tpu.memory_space<vmem>>
    %dma_start3A_364 = arith.constant 0 : i32
    %dma_start3A_365 = arith.constant 0 : i32
    %dma_start3A_366 = tpu.memref_slice %arg3[%dma_start3A_364, %dma_start3A_365] : memref<100000x128xf32, #tpu.memory_space<hbm>> -> memref<100000x128xf32, #tpu.memory_space<hbm>>
    %dma_start3A_367 = tpu.memref_slice %arg8[%dma_start3A_356] : memref<4x!tpu.dma_semaphore, #tpu.memory_space<semaphore_mem>> -> memref<1x!tpu.dma_semaphore, #tpu.memory_space<semaphore_mem>>
    %dma_start3A_368 = tpu.memref_squeeze %dma_start3A_367 : memref<1x!tpu.dma_semaphore, #tpu.memory_space<semaphore_mem>> -> memref<!tpu.dma_semaphore, #tpu.memory_space<semaphore_mem>>
    tpu.enqueue_indirect_dma source(%dma_start3A_366 : memref<100000x128xf32, #tpu.memory_space<hbm>>) target(%dma_start3A_360 : memref<128x128xf32, #tpu.memory_space<vmem>>) offsets(%dma_start3A_363 : memref<128xi32, #tpu.memory_space<vmem>>) semaphore(%dma_start3A_368 : memref<!tpu.dma_semaphore, #tpu.memory_space<semaphore_mem>>)
    %scan3A = arith.constant 0 : i32
    %scan3A_369 = arith.constant 0 : i32
    %scan3A_370 = arith.constant 48 : i32
    %scan3A_371 = arith.addi %scan3A_369, %scan3A_370 : i32
    %scan3A_372 = arith.constant 1 : i32
    scf.for %scan3A_758 = %scan3A_369 to %scan3A_371 step %scan3A_372  : i32 {
      %mul3A_759 = arith.constant 4 : i32
      %mul3A_760 = arith.muli %mul3A_759, %scan3A_758 : i32
      %add3A_761 = arith.constant 4 : i32
      %add3A_762 = arith.addi %add3A_761, %mul3A_760 : i32
      %add3A_763 = arith.constant 0 : i32
      %add3A_764 = arith.addi %add3A_762, %add3A_763 : i32
      %dma_wait3A_765 = arith.constant 0 : i32
      %dma_wait3A_766 = arith.constant 0 : i32
      %dma_wait3A_767 = arith.constant 0 : i32
      %dma_wait3A_768 = arith.constant 0 : i32
      %dma_wait3A_769 = arith.constant 0 : i32
      %dma_wait3A_770 = tpu.memref_slice %arg6[%dma_wait3A_766, %dma_wait3A_768, %dma_wait3A_769] : memref<4x128x128xf32, #tpu.memory_space<vmem>> -> memref<1x128x128xf32, #tpu.memory_space<vmem>>
      %dma_wait3A_771 = tpu.memref_squeeze %dma_wait3A_770 : memref<1x128x128xf32, #tpu.memory_space<vmem>> -> memref<128x128xf32, #tpu.memory_space<vmem>>
      %dma_wait3A_772 = arith.constant 0 : i32
      %dma_wait3A_773 = tpu.memref_slice %arg5[%dma_wait3A_765, %dma_wait3A_772] : memref<200x128xi32, #tpu.memory_space<vmem>> -> memref<1x128xi32, #tpu.memory_space<vmem>>
      %dma_wait3A_774 = tpu.memref_squeeze %dma_wait3A_773 : memref<1x128xi32, #tpu.memory_space<vmem>> -> memref<128xi32, #tpu.memory_space<vmem>>
      %dma_wait3A_775 = arith.constant 0 : i32
      %dma_wait3A_776 = arith.constant 0 : i32
      %dma_wait3A_777 = tpu.memref_slice %arg3[%dma_wait3A_775, %dma_wait3A_776] : memref<100000x128xf32, #tpu.memory_space<hbm>> -> memref<100000x128xf32, #tpu.memory_space<hbm>>
      %dma_wait3A_778 = tpu.memref_slice %arg8[%dma_wait3A_767] : memref<4x!tpu.dma_semaphore, #tpu.memory_space<semaphore_mem>> -> memref<1x!tpu.dma_semaphore, #tpu.memory_space<semaphore_mem>>
      %dma_wait3A_779 = tpu.memref_squeeze %dma_wait3A_778 : memref<1x!tpu.dma_semaphore, #tpu.memory_space<semaphore_mem>> -> memref<!tpu.dma_semaphore, #tpu.memory_space<semaphore_mem>>
      tpu.wait_indirect_dma semaphore(%dma_wait3A_779 : memref<!tpu.dma_semaphore, #tpu.memory_space<semaphore_mem>>) src(%dma_wait3A_777 : memref<100000x128xf32, #tpu.memory_space<hbm>>) dst(%dma_wait3A_771 : memref<128x128xf32, #tpu.memory_space<vmem>>)
      %dma_wait3A_780 = arith.constant 0 : i32
      %dma_wait3A_781 = arith.constant 0 : i32
      %dma_wait3A_782 = tpu.memref_slice %arg10[%dma_wait3A_781] : memref<2x!tpu.dma_semaphore, #tpu.memory_space<semaphore_mem>> -> memref<1x!tpu.dma_semaphore, #tpu.memory_space<semaphore_mem>>
      %dma_wait3A_783 = tpu.memref_squeeze %dma_wait3A_782 : memref<1x!tpu.dma_semaphore, #tpu.memory_space<semaphore_mem>> -> memref<!tpu.dma_semaphore, #tpu.memory_space<semaphore_mem>>
      %dma_wait3A_784 = arith.constant 0 : i32
      %dma_wait3A_785 = tpu.memref_slice %arg4[%mul3A_2, %dma_wait3A_784] : memref<819200x128xf32, #tpu.memory_space<hbm>> -> memref<128x128xf32, #tpu.memory_space<hbm>>
      %dma_wait3A_786 = arith.constant 0 : i32
      %dma_wait3A_787 = arith.constant 0 : i32
      %dma_wait3A_788 = tpu.memref_slice %arg7[%arg1, %dma_wait3A_780, %dma_wait3A_786, %dma_wait3A_787] : memref<16x2x128x128xf32, #tpu.memory_space<vmem_shared>> -> memref<1x1x128x128xf32, #tpu.memory_space<vmem_shared>>
      %dma_wait3A_789 = tpu.memref_squeeze %dma_wait3A_788 : memref<1x1x128x128xf32, #tpu.memory_space<vmem_shared>> -> memref<128x128xf32, #tpu.memory_space<vmem_shared>>
      tpu.wait_dma2 semaphore(%dma_wait3A_783 : memref<!tpu.dma_semaphore, #tpu.memory_space<semaphore_mem>>) src(%dma_wait3A_789 : memref<128x128xf32, #tpu.memory_space<vmem_shared>>) dst(%dma_wait3A_785 : memref<128x128xf32, #tpu.memory_space<hbm>>)
      %dma_start3A_790 = arith.constant 0 : i32
      %dma_start3A_791 = arith.constant 0 : i32
      %dma_start3A_792 = arith.constant 0 : i32
      %dma_start3A_793 = arith.constant 0 : i32
      %dma_start3A_794 = arith.constant 0 : i32
      %dma_start3A_795 = tpu.memref_slice %arg6[%dma_start3A_790, %dma_start3A_793, %dma_start3A_794] : memref<4x128x128xf32, #tpu.memory_space<vmem>> -> memref<1x128x128xf32, #tpu.memory_space<vmem>>
      %dma_start3A_796 = tpu.memref_squeeze %dma_start3A_795 : memref<1x128x128xf32, #tpu.memory_space<vmem>> -> memref<128x128xf32, #tpu.memory_space<vmem>>
      %dma_start3A_797 = arith.constant 0 : i32
      %dma_start3A_798 = arith.constant 0 : i32
      %dma_start3A_799 = tpu.memref_slice %arg7[%arg1, %dma_start3A_791, %dma_start3A_797, %dma_start3A_798] : memref<16x2x128x128xf32, #tpu.memory_space<vmem_shared>> -> memref<1x1x128x128xf32, #tpu.memory_space<vmem_shared>>
      %dma_start3A_800 = tpu.memref_squeeze %dma_start3A_799 : memref<1x1x128x128xf32, #tpu.memory_space<vmem_shared>> -> memref<128x128xf32, #tpu.memory_space<vmem_shared>>
      %dma_start3A_801 = tpu.memref_slice %arg9[%dma_start3A_792] : memref<2x!tpu.dma_semaphore, #tpu.memory_space<semaphore_mem>> -> memref<1x!tpu.dma_semaphore, #tpu.memory_space<semaphore_mem>>
      %dma_start3A_802 = tpu.memref_squeeze %dma_start3A_801 : memref<1x!tpu.dma_semaphore, #tpu.memory_space<semaphore_mem>> -> memref<!tpu.dma_semaphore, #tpu.memory_space<semaphore_mem>>
      %dma_start3A_803 = arith.constant 0 : i32
      %dma_start3A_804 = arith.constant 0 : i32
      %dma_start3A_805 = tpu.memref_slice %arg7[%arg1, %dma_start3A_791, %dma_start3A_803, %dma_start3A_804] : memref<16x2x128x128xf32, #tpu.memory_space<vmem_shared>> -> memref<1x1x128x128xf32, #tpu.memory_space<vmem_shared>>
      %dma_start3A_806 = tpu.memref_squeeze %dma_start3A_805 : memref<1x1x128x128xf32, #tpu.memory_space<vmem_shared>> -> memref<128x128xf32, #tpu.memory_space<vmem_shared>>
      %dma_start3A_807 = arith.constant 0 : i32
      %dma_start3A_808 = arith.constant 0 : i32
      %dma_start3A_809 = tpu.memref_slice %arg6[%dma_start3A_790, %dma_start3A_807, %dma_start3A_808] : memref<4x128x128xf32, #tpu.memory_space<vmem>> -> memref<1x128x128xf32, #tpu.memory_space<vmem>>
      %dma_start3A_810 = tpu.memref_squeeze %dma_start3A_809 : memref<1x128x128xf32, #tpu.memory_space<vmem>> -> memref<128x128xf32, #tpu.memory_space<vmem>>
      tpu.enqueue_dma source(%dma_start3A_810 : memref<128x128xf32, #tpu.memory_space<vmem>>) target(%dma_start3A_806 : memref<128x128xf32, #tpu.memory_space<vmem_shared>>) target_semaphore(%dma_start3A_802 : memref<!tpu.dma_semaphore, #tpu.memory_space<semaphore_mem>>)
      %dma_wait3A_811 = arith.constant 0 : i32
      %dma_wait3A_812 = arith.constant 1 : i32
      %dma_wait3A_813 = arith.constant 1 : i32
      %dma_wait3A_814 = arith.constant 0 : i32
      %dma_wait3A_815 = arith.constant 0 : i32
      %dma_wait3A_816 = tpu.memref_slice %arg6[%dma_wait3A_811, %dma_wait3A_814, %dma_wait3A_815] : memref<4x128x128xf32, #tpu.memory_space<vmem>> -> memref<1x128x128xf32, #tpu.memory_space<vmem>>
      %dma_wait3A_817 = tpu.memref_squeeze %dma_wait3A_816 : memref<1x128x128xf32, #tpu.memory_space<vmem>> -> memref<128x128xf32, #tpu.memory_space<vmem>>
      %dma_wait3A_818 = arith.constant 0 : i32
      %dma_wait3A_819 = arith.constant 0 : i32
      %dma_wait3A_820 = tpu.memref_slice %arg7[%arg1, %dma_wait3A_812, %dma_wait3A_818, %dma_wait3A_819] : memref<16x2x128x128xf32, #tpu.memory_space<vmem_shared>> -> memref<1x1x128x128xf32, #tpu.memory_space<vmem_shared>>
      %dma_wait3A_821 = tpu.memref_squeeze %dma_wait3A_820 : memref<1x1x128x128xf32, #tpu.memory_space<vmem_shared>> -> memref<128x128xf32, #tpu.memory_space<vmem_shared>>
      %dma_wait3A_822 = tpu.memref_slice %arg9[%dma_wait3A_813] : memref<2x!tpu.dma_semaphore, #tpu.memory_space<semaphore_mem>> -> memref<1x!tpu.dma_semaphore, #tpu.memory_space<semaphore_mem>>
      %dma_wait3A_823 = tpu.memref_squeeze %dma_wait3A_822 : memref<1x!tpu.dma_semaphore, #tpu.memory_space<semaphore_mem>> -> memref<!tpu.dma_semaphore, #tpu.memory_space<semaphore_mem>>
      %dma_wait3A_824 = arith.constant 0 : i32
      %dma_wait3A_825 = arith.constant 0 : i32
      %dma_wait3A_826 = tpu.memref_slice %arg7[%arg1, %dma_wait3A_812, %dma_wait3A_824, %dma_wait3A_825] : memref<16x2x128x128xf32, #tpu.memory_space<vmem_shared>> -> memref<1x1x128x128xf32, #tpu.memory_space<vmem_shared>>
      %dma_wait3A_827 = tpu.memref_squeeze %dma_wait3A_826 : memref<1x1x128x128xf32, #tpu.memory_space<vmem_shared>> -> memref<128x128xf32, #tpu.memory_space<vmem_shared>>
      %dma_wait3A_828 = arith.constant 0 : i32
      %dma_wait3A_829 = arith.constant 0 : i32
      %dma_wait3A_830 = tpu.memref_slice %arg6[%dma_wait3A_811, %dma_wait3A_828, %dma_wait3A_829] : memref<4x128x128xf32, #tpu.memory_space<vmem>> -> memref<1x128x128xf32, #tpu.memory_space<vmem>>
      %dma_wait3A_831 = tpu.memref_squeeze %dma_wait3A_830 : memref<1x128x128xf32, #tpu.memory_space<vmem>> -> memref<128x128xf32, #tpu.memory_space<vmem>>
      tpu.wait_dma2 semaphore(%dma_wait3A_823 : memref<!tpu.dma_semaphore, #tpu.memory_space<semaphore_mem>>) src(%dma_wait3A_831 : memref<128x128xf32, #tpu.memory_space<vmem>>) dst(%dma_wait3A_827 : memref<128x128xf32, #tpu.memory_space<vmem_shared>>)
      %sub3A = arith.constant 1 : i32
      %sub3A_832 = arith.subi %add3A_764, %sub3A : i32
      %mul3A_833 = arith.constant 128 : i32
      %mul3A_834 = arith.muli %sub3A_832, %mul3A_833 : i32
      %add3A_835 = arith.addi %mul3A_2, %mul3A_834 : i32
      %dma_start3A_836 = arith.constant 1 : i32
      %dma_start3A_837 = arith.constant 1 : i32
      %dma_start3A_838 = tpu.memref_slice %arg10[%dma_start3A_837] : memref<2x!tpu.dma_semaphore, #tpu.memory_space<semaphore_mem>> -> memref<1x!tpu.dma_semaphore, #tpu.memory_space<semaphore_mem>>
      %dma_start3A_839 = tpu.memref_squeeze %dma_start3A_838 : memref<1x!tpu.dma_semaphore, #tpu.memory_space<semaphore_mem>> -> memref<!tpu.dma_semaphore, #tpu.memory_space<semaphore_mem>>
      %dma_start3A_840 = arith.constant 0 : i32
      %dma_start3A_841 = tpu.memref_slice %arg4[%add3A_835, %dma_start3A_840] : memref<819200x128xf32, #tpu.memory_space<hbm>> -> memref<128x128xf32, #tpu.memory_space<hbm>>
      %dma_start3A_842 = arith.constant 0 : i32
      %dma_start3A_843 = arith.constant 0 : i32
      %dma_start3A_844 = tpu.memref_slice %arg7[%arg1, %dma_start3A_836, %dma_start3A_842, %dma_start3A_843] : memref<16x2x128x128xf32, #tpu.memory_space<vmem_shared>> -> memref<1x1x128x128xf32, #tpu.memory_space<vmem_shared>>
      %dma_start3A_845 = tpu.memref_squeeze %dma_start3A_844 : memref<1x1x128x128xf32, #tpu.memory_space<vmem_shared>> -> memref<128x128xf32, #tpu.memory_space<vmem_shared>>
      tpu.enqueue_dma source(%dma_start3A_845 : memref<128x128xf32, #tpu.memory_space<vmem_shared>>) target(%dma_start3A_841 : memref<128x128xf32, #tpu.memory_space<hbm>>) target_semaphore(%dma_start3A_839 : memref<!tpu.dma_semaphore, #tpu.memory_space<semaphore_mem>>)
      %add3A_846 = arith.constant 4 : i32
      %add3A_847 = arith.addi %add3A_764, %add3A_846 : i32
      %sub3A_848 = arith.constant 1 : i32
      %sub3A_849 = arith.subi %add3A_847, %sub3A_848 : i32
      %dma_start3A_850 = arith.constant 3 : i32
      %dma_start3A_851 = arith.constant 3 : i32
      %dma_start3A_852 = arith.constant 0 : i32
      %dma_start3A_853 = arith.constant 0 : i32
      %dma_start3A_854 = tpu.memref_slice %arg6[%dma_start3A_850, %dma_start3A_852, %dma_start3A_853] : memref<4x128x128xf32, #tpu.memory_space<vmem>> -> memref<1x128x128xf32, #tpu.memory_space<vmem>>
      %dma_start3A_855 = tpu.memref_squeeze %dma_start3A_854 : memref<1x128x128xf32, #tpu.memory_space<vmem>> -> memref<128x128xf32, #tpu.memory_space<vmem>>
      %dma_start3A_856 = arith.constant 0 : i32
      %dma_start3A_857 = tpu.memref_slice %arg5[%sub3A_849, %dma_start3A_856] : memref<200x128xi32, #tpu.memory_space<vmem>> -> memref<1x128xi32, #tpu.memory_space<vmem>>
      %dma_start3A_858 = tpu.memref_squeeze %dma_start3A_857 : memref<1x128xi32, #tpu.memory_space<vmem>> -> memref<128xi32, #tpu.memory_space<vmem>>
      %dma_start3A_859 = arith.constant 0 : i32
      %dma_start3A_860 = arith.constant 0 : i32
      %dma_start3A_861 = tpu.memref_slice %arg3[%dma_start3A_859, %dma_start3A_860] : memref<100000x128xf32, #tpu.memory_space<hbm>> -> memref<100000x128xf32, #tpu.memory_space<hbm>>
      %dma_start3A_862 = tpu.memref_slice %arg8[%dma_start3A_851] : memref<4x!tpu.dma_semaphore, #tpu.memory_space<semaphore_mem>> -> memref<1x!tpu.dma_semaphore, #tpu.memory_space<semaphore_mem>>
      %dma_start3A_863 = tpu.memref_squeeze %dma_start3A_862 : memref<1x!tpu.dma_semaphore, #tpu.memory_space<semaphore_mem>> -> memref<!tpu.dma_semaphore, #tpu.memory_space<semaphore_mem>>
      tpu.enqueue_indirect_dma source(%dma_start3A_861 : memref<100000x128xf32, #tpu.memory_space<hbm>>) target(%dma_start3A_855 : memref<128x128xf32, #tpu.memory_space<vmem>>) offsets(%dma_start3A_858 : memref<128xi32, #tpu.memory_space<vmem>>) semaphore(%dma_start3A_863 : memref<!tpu.dma_semaphore, #tpu.memory_space<semaphore_mem>>)
      %add3A_864 = arith.constant 1 : i32
      %add3A_865 = arith.addi %add3A_762, %add3A_864 : i32
      %dma_wait3A_866 = arith.constant 0 : i32
      %dma_wait3A_867 = arith.constant 1 : i32
      %dma_wait3A_868 = arith.constant 1 : i32
      %dma_wait3A_869 = arith.constant 0 : i32
      %dma_wait3A_870 = arith.constant 0 : i32
      %dma_wait3A_871 = tpu.memref_slice %arg6[%dma_wait3A_867, %dma_wait3A_869, %dma_wait3A_870] : memref<4x128x128xf32, #tpu.memory_space<vmem>> -> memref<1x128x128xf32, #tpu.memory_space<vmem>>
      %dma_wait3A_872 = tpu.memref_squeeze %dma_wait3A_871 : memref<1x128x128xf32, #tpu.memory_space<vmem>> -> memref<128x128xf32, #tpu.memory_space<vmem>>
      %dma_wait3A_873 = arith.constant 0 : i32
      %dma_wait3A_874 = tpu.memref_slice %arg5[%dma_wait3A_866, %dma_wait3A_873] : memref<200x128xi32, #tpu.memory_space<vmem>> -> memref<1x128xi32, #tpu.memory_space<vmem>>
      %dma_wait3A_875 = tpu.memref_squeeze %dma_wait3A_874 : memref<1x128xi32, #tpu.memory_space<vmem>> -> memref<128xi32, #tpu.memory_space<vmem>>
      %dma_wait3A_876 = arith.constant 0 : i32
      %dma_wait3A_877 = arith.constant 0 : i32
      %dma_wait3A_878 = tpu.memref_slice %arg3[%dma_wait3A_876, %dma_wait3A_877] : memref<100000x128xf32, #tpu.memory_space<hbm>> -> memref<100000x128xf32, #tpu.memory_space<hbm>>
      %dma_wait3A_879 = tpu.memref_slice %arg8[%dma_wait3A_868] : memref<4x!tpu.dma_semaphore, #tpu.memory_space<semaphore_mem>> -> memref<1x!tpu.dma_semaphore, #tpu.memory_space<semaphore_mem>>
      %dma_wait3A_880 = tpu.memref_squeeze %dma_wait3A_879 : memref<1x!tpu.dma_semaphore, #tpu.memory_space<semaphore_mem>> -> memref<!tpu.dma_semaphore, #tpu.memory_space<semaphore_mem>>
      tpu.wait_indirect_dma semaphore(%dma_wait3A_880 : memref<!tpu.dma_semaphore, #tpu.memory_space<semaphore_mem>>) src(%dma_wait3A_878 : memref<100000x128xf32, #tpu.memory_space<hbm>>) dst(%dma_wait3A_872 : memref<128x128xf32, #tpu.memory_space<vmem>>)
      %dma_wait3A_881 = arith.constant 1 : i32
      %dma_wait3A_882 = arith.constant 1 : i32
      %dma_wait3A_883 = tpu.memref_slice %arg10[%dma_wait3A_882] : memref<2x!tpu.dma_semaphore, #tpu.memory_space<semaphore_mem>> -> memref<1x!tpu.dma_semaphore, #tpu.memory_space<semaphore_mem>>
      %dma_wait3A_884 = tpu.memref_squeeze %dma_wait3A_883 : memref<1x!tpu.dma_semaphore, #tpu.memory_space<semaphore_mem>> -> memref<!tpu.dma_semaphore, #tpu.memory_space<semaphore_mem>>
      %dma_wait3A_885 = arith.constant 0 : i32
      %dma_wait3A_886 = tpu.memref_slice %arg4[%mul3A_2, %dma_wait3A_885] : memref<819200x128xf32, #tpu.memory_space<hbm>> -> memref<128x128xf32, #tpu.memory_space<hbm>>
      %dma_wait3A_887 = arith.constant 0 : i32
      %dma_wait3A_888 = arith.constant 0 : i32
      %dma_wait3A_889 = tpu.memref_slice %arg7[%arg1, %dma_wait3A_881, %dma_wait3A_887, %dma_wait3A_888] : memref<16x2x128x128xf32, #tpu.memory_space<vmem_shared>> -> memref<1x1x128x128xf32, #tpu.memory_space<vmem_shared>>
      %dma_wait3A_890 = tpu.memref_squeeze %dma_wait3A_889 : memref<1x1x128x128xf32, #tpu.memory_space<vmem_shared>> -> memref<128x128xf32, #tpu.memory_space<vmem_shared>>
      tpu.wait_dma2 semaphore(%dma_wait3A_884 : memref<!tpu.dma_semaphore, #tpu.memory_space<semaphore_mem>>) src(%dma_wait3A_890 : memref<128x128xf32, #tpu.memory_space<vmem_shared>>) dst(%dma_wait3A_886 : memref<128x128xf32, #tpu.memory_space<hbm>>)
      %dma_start3A_891 = arith.constant 1 : i32
      %dma_start3A_892 = arith.constant 1 : i32
      %dma_start3A_893 = arith.constant 1 : i32
      %dma_start3A_894 = arith.constant 0 : i32
      %dma_start3A_895 = arith.constant 0 : i32
      %dma_start3A_896 = tpu.memref_slice %arg6[%dma_start3A_891, %dma_start3A_894, %dma_start3A_895] : memref<4x128x128xf32, #tpu.memory_space<vmem>> -> memref<1x128x128xf32, #tpu.memory_space<vmem>>
      %dma_start3A_897 = tpu.memref_squeeze %dma_start3A_896 : memref<1x128x128xf32, #tpu.memory_space<vmem>> -> memref<128x128xf32, #tpu.memory_space<vmem>>
      %dma_start3A_898 = arith.constant 0 : i32
      %dma_start3A_899 = arith.constant 0 : i32
      %dma_start3A_900 = tpu.memref_slice %arg7[%arg1, %dma_start3A_892, %dma_start3A_898, %dma_start3A_899] : memref<16x2x128x128xf32, #tpu.memory_space<vmem_shared>> -> memref<1x1x128x128xf32, #tpu.memory_space<vmem_shared>>
      %dma_start3A_901 = tpu.memref_squeeze %dma_start3A_900 : memref<1x1x128x128xf32, #tpu.memory_space<vmem_shared>> -> memref<128x128xf32, #tpu.memory_space<vmem_shared>>
      %dma_start3A_902 = tpu.memref_slice %arg9[%dma_start3A_893] : memref<2x!tpu.dma_semaphore, #tpu.memory_space<semaphore_mem>> -> memref<1x!tpu.dma_semaphore, #tpu.memory_space<semaphore_mem>>
      %dma_start3A_903 = tpu.memref_squeeze %dma_start3A_902 : memref<1x!tpu.dma_semaphore, #tpu.memory_space<semaphore_mem>> -> memref<!tpu.dma_semaphore, #tpu.memory_space<semaphore_mem>>
      %dma_start3A_904 = arith.constant 0 : i32
      %dma_start3A_905 = arith.constant 0 : i32
      %dma_start3A_906 = tpu.memref_slice %arg7[%arg1, %dma_start3A_892, %dma_start3A_904, %dma_start3A_905] : memref<16x2x128x128xf32, #tpu.memory_space<vmem_shared>> -> memref<1x1x128x128xf32, #tpu.memory_space<vmem_shared>>
      %dma_start3A_907 = tpu.memref_squeeze %dma_start3A_906 : memref<1x1x128x128xf32, #tpu.memory_space<vmem_shared>> -> memref<128x128xf32, #tpu.memory_space<vmem_shared>>
      %dma_start3A_908 = arith.constant 0 : i32
      %dma_start3A_909 = arith.constant 0 : i32
      %dma_start3A_910 = tpu.memref_slice %arg6[%dma_start3A_891, %dma_start3A_908, %dma_start3A_909] : memref<4x128x128xf32, #tpu.memory_space<vmem>> -> memref<1x128x128xf32, #tpu.memory_space<vmem>>
      %dma_start3A_911 = tpu.memref_squeeze %dma_start3A_910 : memref<1x128x128xf32, #tpu.memory_space<vmem>> -> memref<128x128xf32, #tpu.memory_space<vmem>>
      tpu.enqueue_dma source(%dma_start3A_911 : memref<128x128xf32, #tpu.memory_space<vmem>>) target(%dma_start3A_907 : memref<128x128xf32, #tpu.memory_space<vmem_shared>>) target_semaphore(%dma_start3A_903 : memref<!tpu.dma_semaphore, #tpu.memory_space<semaphore_mem>>)
      %dma_wait3A_912 = arith.constant 0 : i32
      %dma_wait3A_913 = arith.constant 0 : i32
      %dma_wait3A_914 = arith.constant 0 : i32
      %dma_wait3A_915 = arith.constant 0 : i32
      %dma_wait3A_916 = arith.constant 0 : i32
      %dma_wait3A_917 = tpu.memref_slice %arg6[%dma_wait3A_912, %dma_wait3A_915, %dma_wait3A_916] : memref<4x128x128xf32, #tpu.memory_space<vmem>> -> memref<1x128x128xf32, #tpu.memory_space<vmem>>
      %dma_wait3A_918 = tpu.memref_squeeze %dma_wait3A_917 : memref<1x128x128xf32, #tpu.memory_space<vmem>> -> memref<128x128xf32, #tpu.memory_space<vmem>>
      %dma_wait3A_919 = arith.constant 0 : i32
      %dma_wait3A_920 = arith.constant 0 : i32
      %dma_wait3A_921 = tpu.memref_slice %arg7[%arg1, %dma_wait3A_913, %dma_wait3A_919, %dma_wait3A_920] : memref<16x2x128x128xf32, #tpu.memory_space<vmem_shared>> -> memref<1x1x128x128xf32, #tpu.memory_space<vmem_shared>>
      %dma_wait3A_922 = tpu.memref_squeeze %dma_wait3A_921 : memref<1x1x128x128xf32, #tpu.memory_space<vmem_shared>> -> memref<128x128xf32, #tpu.memory_space<vmem_shared>>
      %dma_wait3A_923 = tpu.memref_slice %arg9[%dma_wait3A_914] : memref<2x!tpu.dma_semaphore, #tpu.memory_space<semaphore_mem>> -> memref<1x!tpu.dma_semaphore, #tpu.memory_space<semaphore_mem>>
      %dma_wait3A_924 = tpu.memref_squeeze %dma_wait3A_923 : memref<1x!tpu.dma_semaphore, #tpu.memory_space<semaphore_mem>> -> memref<!tpu.dma_semaphore, #tpu.memory_space<semaphore_mem>>
      %dma_wait3A_925 = arith.constant 0 : i32
      %dma_wait3A_926 = arith.constant 0 : i32
      %dma_wait3A_927 = tpu.memref_slice %arg7[%arg1, %dma_wait3A_913, %dma_wait3A_925, %dma_wait3A_926] : memref<16x2x128x128xf32, #tpu.memory_space<vmem_shared>> -> memref<1x1x128x128xf32, #tpu.memory_space<vmem_shared>>
      %dma_wait3A_928 = tpu.memref_squeeze %dma_wait3A_927 : memref<1x1x128x128xf32, #tpu.memory_space<vmem_shared>> -> memref<128x128xf32, #tpu.memory_space<vmem_shared>>
      %dma_wait3A_929 = arith.constant 0 : i32
      %dma_wait3A_930 = arith.constant 0 : i32
      %dma_wait3A_931 = tpu.memref_slice %arg6[%dma_wait3A_912, %dma_wait3A_929, %dma_wait3A_930] : memref<4x128x128xf32, #tpu.memory_space<vmem>> -> memref<1x128x128xf32, #tpu.memory_space<vmem>>
      %dma_wait3A_932 = tpu.memref_squeeze %dma_wait3A_931 : memref<1x128x128xf32, #tpu.memory_space<vmem>> -> memref<128x128xf32, #tpu.memory_space<vmem>>
      tpu.wait_dma2 semaphore(%dma_wait3A_924 : memref<!tpu.dma_semaphore, #tpu.memory_space<semaphore_mem>>) src(%dma_wait3A_932 : memref<128x128xf32, #tpu.memory_space<vmem>>) dst(%dma_wait3A_928 : memref<128x128xf32, #tpu.memory_space<vmem_shared>>)
      %sub3A_933 = arith.constant 1 : i32
      %sub3A_934 = arith.subi %add3A_865, %sub3A_933 : i32
      %mul3A_935 = arith.constant 128 : i32
      %mul3A_936 = arith.muli %sub3A_934, %mul3A_935 : i32
      %add3A_937 = arith.addi %mul3A_2, %mul3A_936 : i32
      %dma_start3A_938 = arith.constant 0 : i32
      %dma_start3A_939 = arith.constant 0 : i32
      %dma_start3A_940 = tpu.memref_slice %arg10[%dma_start3A_939] : memref<2x!tpu.dma_semaphore, #tpu.memory_space<semaphore_mem>> -> memref<1x!tpu.dma_semaphore, #tpu.memory_space<semaphore_mem>>
      %dma_start3A_941 = tpu.memref_squeeze %dma_start3A_940 : memref<1x!tpu.dma_semaphore, #tpu.memory_space<semaphore_mem>> -> memref<!tpu.dma_semaphore, #tpu.memory_space<semaphore_mem>>
      %dma_start3A_942 = arith.constant 0 : i32
      %dma_start3A_943 = tpu.memref_slice %arg4[%add3A_937, %dma_start3A_942] : memref<819200x128xf32, #tpu.memory_space<hbm>> -> memref<128x128xf32, #tpu.memory_space<hbm>>
      %dma_start3A_944 = arith.constant 0 : i32
      %dma_start3A_945 = arith.constant 0 : i32
      %dma_start3A_946 = tpu.memref_slice %arg7[%arg1, %dma_start3A_938, %dma_start3A_944, %dma_start3A_945] : memref<16x2x128x128xf32, #tpu.memory_space<vmem_shared>> -> memref<1x1x128x128xf32, #tpu.memory_space<vmem_shared>>
      %dma_start3A_947 = tpu.memref_squeeze %dma_start3A_946 : memref<1x1x128x128xf32, #tpu.memory_space<vmem_shared>> -> memref<128x128xf32, #tpu.memory_space<vmem_shared>>
      tpu.enqueue_dma source(%dma_start3A_947 : memref<128x128xf32, #tpu.memory_space<vmem_shared>>) target(%dma_start3A_943 : memref<128x128xf32, #tpu.memory_space<hbm>>) target_semaphore(%dma_start3A_941 : memref<!tpu.dma_semaphore, #tpu.memory_space<semaphore_mem>>)
      %add3A_948 = arith.constant 4 : i32
      %add3A_949 = arith.addi %add3A_865, %add3A_948 : i32
      %sub3A_950 = arith.constant 1 : i32
      %sub3A_951 = arith.subi %add3A_949, %sub3A_950 : i32
      %dma_start3A_952 = arith.constant 0 : i32
      %dma_start3A_953 = arith.constant 0 : i32
      %dma_start3A_954 = arith.constant 0 : i32
      %dma_start3A_955 = arith.constant 0 : i32
      %dma_start3A_956 = tpu.memref_slice %arg6[%dma_start3A_952, %dma_start3A_954, %dma_start3A_955] : memref<4x128x128xf32, #tpu.memory_space<vmem>> -> memref<1x128x128xf32, #tpu.memory_space<vmem>>
      %dma_start3A_957 = tpu.memref_squeeze %dma_start3A_956 : memref<1x128x128xf32, #tpu.memory_space<vmem>> -> memref<128x128xf32, #tpu.memory_space<vmem>>
      %dma_start3A_958 = arith.constant 0 : i32
      %dma_start3A_959 = tpu.memref_slice %arg5[%sub3A_951, %dma_start3A_958] : memref<200x128xi32, #tpu.memory_space<vmem>> -> memref<1x128xi32, #tpu.memory_space<vmem>>
      %dma_start3A_960 = tpu.memref_squeeze %dma_start3A_959 : memref<1x128xi32, #tpu.memory_space<vmem>> -> memref<128xi32, #tpu.memory_space<vmem>>
      %dma_start3A_961 = arith.constant 0 : i32
      %dma_start3A_962 = arith.constant 0 : i32
      %dma_start3A_963 = tpu.memref_slice %arg3[%dma_start3A_961, %dma_start3A_962] : memref<100000x128xf32, #tpu.memory_space<hbm>> -> memref<100000x128xf32, #tpu.memory_space<hbm>>
      %dma_start3A_964 = tpu.memref_slice %arg8[%dma_start3A_953] : memref<4x!tpu.dma_semaphore, #tpu.memory_space<semaphore_mem>> -> memref<1x!tpu.dma_semaphore, #tpu.memory_space<semaphore_mem>>
      %dma_start3A_965 = tpu.memref_squeeze %dma_start3A_964 : memref<1x!tpu.dma_semaphore, #tpu.memory_space<semaphore_mem>> -> memref<!tpu.dma_semaphore, #tpu.memory_space<semaphore_mem>>
      tpu.enqueue_indirect_dma source(%dma_start3A_963 : memref<100000x128xf32, #tpu.memory_space<hbm>>) target(%dma_start3A_957 : memref<128x128xf32, #tpu.memory_space<vmem>>) offsets(%dma_start3A_960 : memref<128xi32, #tpu.memory_space<vmem>>) semaphore(%dma_start3A_965 : memref<!tpu.dma_semaphore, #tpu.memory_space<semaphore_mem>>)
      %add3A_966 = arith.constant 2 : i32
      %add3A_967 = arith.addi %add3A_762, %add3A_966 : i32
      %dma_wait3A_968 = arith.constant 0 : i32
      %dma_wait3A_969 = arith.constant 2 : i32
      %dma_wait3A_970 = arith.constant 2 : i32
      %dma_wait3A_971 = arith.constant 0 : i32
      %dma_wait3A_972 = arith.constant 0 : i32
      %dma_wait3A_973 = tpu.memref_slice %arg6[%dma_wait3A_969, %dma_wait3A_971, %dma_wait3A_972] : memref<4x128x128xf32, #tpu.memory_space<vmem>> -> memref<1x128x128xf32, #tpu.memory_space<vmem>>
      %dma_wait3A_974 = tpu.memref_squeeze %dma_wait3A_973 : memref<1x128x128xf32, #tpu.memory_space<vmem>> -> memref<128x128xf32, #tpu.memory_space<vmem>>
      %dma_wait3A_975 = arith.constant 0 : i32
      %dma_wait3A_976 = tpu.memref_slice %arg5[%dma_wait3A_968, %dma_wait3A_975] : memref<200x128xi32, #tpu.memory_space<vmem>> -> memref<1x128xi32, #tpu.memory_space<vmem>>
      %dma_wait3A_977 = tpu.memref_squeeze %dma_wait3A_976 : memref<1x128xi32, #tpu.memory_space<vmem>> -> memref<128xi32, #tpu.memory_space<vmem>>
      %dma_wait3A_978 = arith.constant 0 : i32
      %dma_wait3A_979 = arith.constant 0 : i32
      %dma_wait3A_980 = tpu.memref_slice %arg3[%dma_wait3A_978, %dma_wait3A_979] : memref<100000x128xf32, #tpu.memory_space<hbm>> -> memref<100000x128xf32, #tpu.memory_space<hbm>>
      %dma_wait3A_981 = tpu.memref_slice %arg8[%dma_wait3A_970] : memref<4x!tpu.dma_semaphore, #tpu.memory_space<semaphore_mem>> -> memref<1x!tpu.dma_semaphore, #tpu.memory_space<semaphore_mem>>
      %dma_wait3A_982 = tpu.memref_squeeze %dma_wait3A_981 : memref<1x!tpu.dma_semaphore, #tpu.memory_space<semaphore_mem>> -> memref<!tpu.dma_semaphore, #tpu.memory_space<semaphore_mem>>
      tpu.wait_indirect_dma semaphore(%dma_wait3A_982 : memref<!tpu.dma_semaphore, #tpu.memory_space<semaphore_mem>>) src(%dma_wait3A_980 : memref<100000x128xf32, #tpu.memory_space<hbm>>) dst(%dma_wait3A_974 : memref<128x128xf32, #tpu.memory_space<vmem>>)
      %dma_wait3A_983 = arith.constant 0 : i32
      %dma_wait3A_984 = arith.constant 0 : i32
      %dma_wait3A_985 = tpu.memref_slice %arg10[%dma_wait3A_984] : memref<2x!tpu.dma_semaphore, #tpu.memory_space<semaphore_mem>> -> memref<1x!tpu.dma_semaphore, #tpu.memory_space<semaphore_mem>>
      %dma_wait3A_986 = tpu.memref_squeeze %dma_wait3A_985 : memref<1x!tpu.dma_semaphore, #tpu.memory_space<semaphore_mem>> -> memref<!tpu.dma_semaphore, #tpu.memory_space<semaphore_mem>>
      %dma_wait3A_987 = arith.constant 0 : i32
      %dma_wait3A_988 = tpu.memref_slice %arg4[%mul3A_2, %dma_wait3A_987] : memref<819200x128xf32, #tpu.memory_space<hbm>> -> memref<128x128xf32, #tpu.memory_space<hbm>>
      %dma_wait3A_989 = arith.constant 0 : i32
      %dma_wait3A_990 = arith.constant 0 : i32
      %dma_wait3A_991 = tpu.memref_slice %arg7[%arg1, %dma_wait3A_983, %dma_wait3A_989, %dma_wait3A_990] : memref<16x2x128x128xf32, #tpu.memory_space<vmem_shared>> -> memref<1x1x128x128xf32, #tpu.memory_space<vmem_shared>>
      %dma_wait3A_992 = tpu.memref_squeeze %dma_wait3A_991 : memref<1x1x128x128xf32, #tpu.memory_space<vmem_shared>> -> memref<128x128xf32, #tpu.memory_space<vmem_shared>>
      tpu.wait_dma2 semaphore(%dma_wait3A_986 : memref<!tpu.dma_semaphore, #tpu.memory_space<semaphore_mem>>) src(%dma_wait3A_992 : memref<128x128xf32, #tpu.memory_space<vmem_shared>>) dst(%dma_wait3A_988 : memref<128x128xf32, #tpu.memory_space<hbm>>)
      %dma_start3A_993 = arith.constant 2 : i32
      %dma_start3A_994 = arith.constant 0 : i32
      %dma_start3A_995 = arith.constant 0 : i32
      %dma_start3A_996 = arith.constant 0 : i32
      %dma_start3A_997 = arith.constant 0 : i32
      %dma_start3A_998 = tpu.memref_slice %arg6[%dma_start3A_993, %dma_start3A_996, %dma_start3A_997] : memref<4x128x128xf32, #tpu.memory_space<vmem>> -> memref<1x128x128xf32, #tpu.memory_space<vmem>>
      %dma_start3A_999 = tpu.memref_squeeze %dma_start3A_998 : memref<1x128x128xf32, #tpu.memory_space<vmem>> -> memref<128x128xf32, #tpu.memory_space<vmem>>
      %dma_start3A_1000 = arith.constant 0 : i32
      %dma_start3A_1001 = arith.constant 0 : i32
      %dma_start3A_1002 = tpu.memref_slice %arg7[%arg1, %dma_start3A_994, %dma_start3A_1000, %dma_start3A_1001] : memref<16x2x128x128xf32, #tpu.memory_space<vmem_shared>> -> memref<1x1x128x128xf32, #tpu.memory_space<vmem_shared>>
      %dma_start3A_1003 = tpu.memref_squeeze %dma_start3A_1002 : memref<1x1x128x128xf32, #tpu.memory_space<vmem_shared>> -> memref<128x128xf32, #tpu.memory_space<vmem_shared>>
      %dma_start3A_1004 = tpu.memref_slice %arg9[%dma_start3A_995] : memref<2x!tpu.dma_semaphore, #tpu.memory_space<semaphore_mem>> -> memref<1x!tpu.dma_semaphore, #tpu.memory_space<semaphore_mem>>
      %dma_start3A_1005 = tpu.memref_squeeze %dma_start3A_1004 : memref<1x!tpu.dma_semaphore, #tpu.memory_space<semaphore_mem>> -> memref<!tpu.dma_semaphore, #tpu.memory_space<semaphore_mem>>
      %dma_start3A_1006 = arith.constant 0 : i32
      %dma_start3A_1007 = arith.constant 0 : i32
      %dma_start3A_1008 = tpu.memref_slice %arg7[%arg1, %dma_start3A_994, %dma_start3A_1006, %dma_start3A_1007] : memref<16x2x128x128xf32, #tpu.memory_space<vmem_shared>> -> memref<1x1x128x128xf32, #tpu.memory_space<vmem_shared>>
      %dma_start3A_1009 = tpu.memref_squeeze %dma_start3A_1008 : memref<1x1x128x128xf32, #tpu.memory_space<vmem_shared>> -> memref<128x128xf32, #tpu.memory_space<vmem_shared>>
      %dma_start3A_1010 = arith.constant 0 : i32
      %dma_start3A_1011 = arith.constant 0 : i32
      %dma_start3A_1012 = tpu.memref_slice %arg6[%dma_start3A_993, %dma_start3A_1010, %dma_start3A_1011] : memref<4x128x128xf32, #tpu.memory_space<vmem>> -> memref<1x128x128xf32, #tpu.memory_space<vmem>>
      %dma_start3A_1013 = tpu.memref_squeeze %dma_start3A_1012 : memref<1x128x128xf32, #tpu.memory_space<vmem>> -> memref<128x128xf32, #tpu.memory_space<vmem>>
      tpu.enqueue_dma source(%dma_start3A_1013 : memref<128x128xf32, #tpu.memory_space<vmem>>) target(%dma_start3A_1009 : memref<128x128xf32, #tpu.memory_space<vmem_shared>>) target_semaphore(%dma_start3A_1005 : memref<!tpu.dma_semaphore, #tpu.memory_space<semaphore_mem>>)
      %dma_wait3A_1014 = arith.constant 0 : i32
      %dma_wait3A_1015 = arith.constant 1 : i32
      %dma_wait3A_1016 = arith.constant 1 : i32
      %dma_wait3A_1017 = arith.constant 0 : i32
      %dma_wait3A_1018 = arith.constant 0 : i32
      %dma_wait3A_1019 = tpu.memref_slice %arg6[%dma_wait3A_1014, %dma_wait3A_1017, %dma_wait3A_1018] : memref<4x128x128xf32, #tpu.memory_space<vmem>> -> memref<1x128x128xf32, #tpu.memory_space<vmem>>
      %dma_wait3A_1020 = tpu.memref_squeeze %dma_wait3A_1019 : memref<1x128x128xf32, #tpu.memory_space<vmem>> -> memref<128x128xf32, #tpu.memory_space<vmem>>
      %dma_wait3A_1021 = arith.constant 0 : i32
      %dma_wait3A_1022 = arith.constant 0 : i32
      %dma_wait3A_1023 = tpu.memref_slice %arg7[%arg1, %dma_wait3A_1015, %dma_wait3A_1021, %dma_wait3A_1022] : memref<16x2x128x128xf32, #tpu.memory_space<vmem_shared>> -> memref<1x1x128x128xf32, #tpu.memory_space<vmem_shared>>
      %dma_wait3A_1024 = tpu.memref_squeeze %dma_wait3A_1023 : memref<1x1x128x128xf32, #tpu.memory_space<vmem_shared>> -> memref<128x128xf32, #tpu.memory_space<vmem_shared>>
      %dma_wait3A_1025 = tpu.memref_slice %arg9[%dma_wait3A_1016] : memref<2x!tpu.dma_semaphore, #tpu.memory_space<semaphore_mem>> -> memref<1x!tpu.dma_semaphore, #tpu.memory_space<semaphore_mem>>
      %dma_wait3A_1026 = tpu.memref_squeeze %dma_wait3A_1025 : memref<1x!tpu.dma_semaphore, #tpu.memory_space<semaphore_mem>> -> memref<!tpu.dma_semaphore, #tpu.memory_space<semaphore_mem>>
      %dma_wait3A_1027 = arith.constant 0 : i32
      %dma_wait3A_1028 = arith.constant 0 : i32
      %dma_wait3A_1029 = tpu.memref_slice %arg7[%arg1, %dma_wait3A_1015, %dma_wait3A_1027, %dma_wait3A_1028] : memref<16x2x128x128xf32, #tpu.memory_space<vmem_shared>> -> memref<1x1x128x128xf32, #tpu.memory_space<vmem_shared>>
      %dma_wait3A_1030 = tpu.memref_squeeze %dma_wait3A_1029 : memref<1x1x128x128xf32, #tpu.memory_space<vmem_shared>> -> memref<128x128xf32, #tpu.memory_space<vmem_shared>>
      %dma_wait3A_1031 = arith.constant 0 : i32
      %dma_wait3A_1032 = arith.constant 0 : i32
      %dma_wait3A_1033 = tpu.memref_slice %arg6[%dma_wait3A_1014, %dma_wait3A_1031, %dma_wait3A_1032] : memref<4x128x128xf32, #tpu.memory_space<vmem>> -> memref<1x128x128xf32, #tpu.memory_space<vmem>>
      %dma_wait3A_1034 = tpu.memref_squeeze %dma_wait3A_1033 : memref<1x128x128xf32, #tpu.memory_space<vmem>> -> memref<128x128xf32, #tpu.memory_space<vmem>>
      tpu.wait_dma2 semaphore(%dma_wait3A_1026 : memref<!tpu.dma_semaphore, #tpu.memory_space<semaphore_mem>>) src(%dma_wait3A_1034 : memref<128x128xf32, #tpu.memory_space<vmem>>) dst(%dma_wait3A_1030 : memref<128x128xf32, #tpu.memory_space<vmem_shared>>)
      %sub3A_1035 = arith.constant 1 : i32
      %sub3A_1036 = arith.subi %add3A_967, %sub3A_1035 : i32
      %mul3A_1037 = arith.constant 128 : i32
      %mul3A_1038 = arith.muli %sub3A_1036, %mul3A_1037 : i32
      %add3A_1039 = arith.addi %mul3A_2, %mul3A_1038 : i32
      %dma_start3A_1040 = arith.constant 1 : i32
      %dma_start3A_1041 = arith.constant 1 : i32
      %dma_start3A_1042 = tpu.memref_slice %arg10[%dma_start3A_1041] : memref<2x!tpu.dma_semaphore, #tpu.memory_space<semaphore_mem>> -> memref<1x!tpu.dma_semaphore, #tpu.memory_space<semaphore_mem>>
      %dma_start3A_1043 = tpu.memref_squeeze %dma_start3A_1042 : memref<1x!tpu.dma_semaphore, #tpu.memory_space<semaphore_mem>> -> memref<!tpu.dma_semaphore, #tpu.memory_space<semaphore_mem>>
      %dma_start3A_1044 = arith.constant 0 : i32
      %dma_start3A_1045 = tpu.memref_slice %arg4[%add3A_1039, %dma_start3A_1044] : memref<819200x128xf32, #tpu.memory_space<hbm>> -> memref<128x128xf32, #tpu.memory_space<hbm>>
      %dma_start3A_1046 = arith.constant 0 : i32
      %dma_start3A_1047 = arith.constant 0 : i32
      %dma_start3A_1048 = tpu.memref_slice %arg7[%arg1, %dma_start3A_1040, %dma_start3A_1046, %dma_start3A_1047] : memref<16x2x128x128xf32, #tpu.memory_space<vmem_shared>> -> memref<1x1x128x128xf32, #tpu.memory_space<vmem_shared>>
      %dma_start3A_1049 = tpu.memref_squeeze %dma_start3A_1048 : memref<1x1x128x128xf32, #tpu.memory_space<vmem_shared>> -> memref<128x128xf32, #tpu.memory_space<vmem_shared>>
      tpu.enqueue_dma source(%dma_start3A_1049 : memref<128x128xf32, #tpu.memory_space<vmem_shared>>) target(%dma_start3A_1045 : memref<128x128xf32, #tpu.memory_space<hbm>>) target_semaphore(%dma_start3A_1043 : memref<!tpu.dma_semaphore, #tpu.memory_space<semaphore_mem>>)
      %add3A_1050 = arith.constant 4 : i32
      %add3A_1051 = arith.addi %add3A_967, %add3A_1050 : i32
      %sub3A_1052 = arith.constant 1 : i32
      %sub3A_1053 = arith.subi %add3A_1051, %sub3A_1052 : i32
      %dma_start3A_1054 = arith.constant 1 : i32
      %dma_start3A_1055 = arith.constant 1 : i32
      %dma_start3A_1056 = arith.constant 0 : i32
      %dma_start3A_1057 = arith.constant 0 : i32
      %dma_start3A_1058 = tpu.memref_slice %arg6[%dma_start3A_1054, %dma_start3A_1056, %dma_start3A_1057] : memref<4x128x128xf32, #tpu.memory_space<vmem>> -> memref<1x128x128xf32, #tpu.memory_space<vmem>>
      %dma_start3A_1059 = tpu.memref_squeeze %dma_start3A_1058 : memref<1x128x128xf32, #tpu.memory_space<vmem>> -> memref<128x128xf32, #tpu.memory_space<vmem>>
      %dma_start3A_1060 = arith.constant 0 : i32
      %dma_start3A_1061 = tpu.memref_slice %arg5[%sub3A_1053, %dma_start3A_1060] : memref<200x128xi32, #tpu.memory_space<vmem>> -> memref<1x128xi32, #tpu.memory_space<vmem>>
      %dma_start3A_1062 = tpu.memref_squeeze %dma_start3A_1061 : memref<1x128xi32, #tpu.memory_space<vmem>> -> memref<128xi32, #tpu.memory_space<vmem>>
      %dma_start3A_1063 = arith.constant 0 : i32
      %dma_start3A_1064 = arith.constant 0 : i32
      %dma_start3A_1065 = tpu.memref_slice %arg3[%dma_start3A_1063, %dma_start3A_1064] : memref<100000x128xf32, #tpu.memory_space<hbm>> -> memref<100000x128xf32, #tpu.memory_space<hbm>>
      %dma_start3A_1066 = tpu.memref_slice %arg8[%dma_start3A_1055] : memref<4x!tpu.dma_semaphore, #tpu.memory_space<semaphore_mem>> -> memref<1x!tpu.dma_semaphore, #tpu.memory_space<semaphore_mem>>
      %dma_start3A_1067 = tpu.memref_squeeze %dma_start3A_1066 : memref<1x!tpu.dma_semaphore, #tpu.memory_space<semaphore_mem>> -> memref<!tpu.dma_semaphore, #tpu.memory_space<semaphore_mem>>
      tpu.enqueue_indirect_dma source(%dma_start3A_1065 : memref<100000x128xf32, #tpu.memory_space<hbm>>) target(%dma_start3A_1059 : memref<128x128xf32, #tpu.memory_space<vmem>>) offsets(%dma_start3A_1062 : memref<128xi32, #tpu.memory_space<vmem>>) semaphore(%dma_start3A_1067 : memref<!tpu.dma_semaphore, #tpu.memory_space<semaphore_mem>>)
      %add3A_1068 = arith.constant 3 : i32
      %add3A_1069 = arith.addi %add3A_762, %add3A_1068 : i32
      %dma_wait3A_1070 = arith.constant 0 : i32
      %dma_wait3A_1071 = arith.constant 3 : i32
      %dma_wait3A_1072 = arith.constant 3 : i32
      %dma_wait3A_1073 = arith.constant 0 : i32
      %dma_wait3A_1074 = arith.constant 0 : i32
      %dma_wait3A_1075 = tpu.memref_slice %arg6[%dma_wait3A_1071, %dma_wait3A_1073, %dma_wait3A_1074] : memref<4x128x128xf32, #tpu.memory_space<vmem>> -> memref<1x128x128xf32, #tpu.memory_space<vmem>>
      %dma_wait3A_1076 = tpu.memref_squeeze %dma_wait3A_1075 : memref<1x128x128xf32, #tpu.memory_space<vmem>> -> memref<128x128xf32, #tpu.memory_space<vmem>>
      %dma_wait3A_1077 = arith.constant 0 : i32
      %dma_wait3A_1078 = tpu.memref_slice %arg5[%dma_wait3A_1070, %dma_wait3A_1077] : memref<200x128xi32, #tpu.memory_space<vmem>> -> memref<1x128xi32, #tpu.memory_space<vmem>>
      %dma_wait3A_1079 = tpu.memref_squeeze %dma_wait3A_1078 : memref<1x128xi32, #tpu.memory_space<vmem>> -> memref<128xi32, #tpu.memory_space<vmem>>
      %dma_wait3A_1080 = arith.constant 0 : i32
      %dma_wait3A_1081 = arith.constant 0 : i32
      %dma_wait3A_1082 = tpu.memref_slice %arg3[%dma_wait3A_1080, %dma_wait3A_1081] : memref<100000x128xf32, #tpu.memory_space<hbm>> -> memref<100000x128xf32, #tpu.memory_space<hbm>>
      %dma_wait3A_1083 = tpu.memref_slice %arg8[%dma_wait3A_1072] : memref<4x!tpu.dma_semaphore, #tpu.memory_space<semaphore_mem>> -> memref<1x!tpu.dma_semaphore, #tpu.memory_space<semaphore_mem>>
      %dma_wait3A_1084 = tpu.memref_squeeze %dma_wait3A_1083 : memref<1x!tpu.dma_semaphore, #tpu.memory_space<semaphore_mem>> -> memref<!tpu.dma_semaphore, #tpu.memory_space<semaphore_mem>>
      tpu.wait_indirect_dma semaphore(%dma_wait3A_1084 : memref<!tpu.dma_semaphore, #tpu.memory_space<semaphore_mem>>) src(%dma_wait3A_1082 : memref<100000x128xf32, #tpu.memory_space<hbm>>) dst(%dma_wait3A_1076 : memref<128x128xf32, #tpu.memory_space<vmem>>)
      %dma_wait3A_1085 = arith.constant 1 : i32
      %dma_wait3A_1086 = arith.constant 1 : i32
      %dma_wait3A_1087 = tpu.memref_slice %arg10[%dma_wait3A_1086] : memref<2x!tpu.dma_semaphore, #tpu.memory_space<semaphore_mem>> -> memref<1x!tpu.dma_semaphore, #tpu.memory_space<semaphore_mem>>
      %dma_wait3A_1088 = tpu.memref_squeeze %dma_wait3A_1087 : memref<1x!tpu.dma_semaphore, #tpu.memory_space<semaphore_mem>> -> memref<!tpu.dma_semaphore, #tpu.memory_space<semaphore_mem>>
      %dma_wait3A_1089 = arith.constant 0 : i32
      %dma_wait3A_1090 = tpu.memref_slice %arg4[%mul3A_2, %dma_wait3A_1089] : memref<819200x128xf32, #tpu.memory_space<hbm>> -> memref<128x128xf32, #tpu.memory_space<hbm>>
      %dma_wait3A_1091 = arith.constant 0 : i32
      %dma_wait3A_1092 = arith.constant 0 : i32
      %dma_wait3A_1093 = tpu.memref_slice %arg7[%arg1, %dma_wait3A_1085, %dma_wait3A_1091, %dma_wait3A_1092] : memref<16x2x128x128xf32, #tpu.memory_space<vmem_shared>> -> memref<1x1x128x128xf32, #tpu.memory_space<vmem_shared>>
      %dma_wait3A_1094 = tpu.memref_squeeze %dma_wait3A_1093 : memref<1x1x128x128xf32, #tpu.memory_space<vmem_shared>> -> memref<128x128xf32, #tpu.memory_space<vmem_shared>>
      tpu.wait_dma2 semaphore(%dma_wait3A_1088 : memref<!tpu.dma_semaphore, #tpu.memory_space<semaphore_mem>>) src(%dma_wait3A_1094 : memref<128x128xf32, #tpu.memory_space<vmem_shared>>) dst(%dma_wait3A_1090 : memref<128x128xf32, #tpu.memory_space<hbm>>)
      %dma_start3A_1095 = arith.constant 3 : i32
      %dma_start3A_1096 = arith.constant 1 : i32
      %dma_start3A_1097 = arith.constant 1 : i32
      %dma_start3A_1098 = arith.constant 0 : i32
      %dma_start3A_1099 = arith.constant 0 : i32
      %dma_start3A_1100 = tpu.memref_slice %arg6[%dma_start3A_1095, %dma_start3A_1098, %dma_start3A_1099] : memref<4x128x128xf32, #tpu.memory_space<vmem>> -> memref<1x128x128xf32, #tpu.memory_space<vmem>>
      %dma_start3A_1101 = tpu.memref_squeeze %dma_start3A_1100 : memref<1x128x128xf32, #tpu.memory_space<vmem>> -> memref<128x128xf32, #tpu.memory_space<vmem>>
      %dma_start3A_1102 = arith.constant 0 : i32
      %dma_start3A_1103 = arith.constant 0 : i32
      %dma_start3A_1104 = tpu.memref_slice %arg7[%arg1, %dma_start3A_1096, %dma_start3A_1102, %dma_start3A_1103] : memref<16x2x128x128xf32, #tpu.memory_space<vmem_shared>> -> memref<1x1x128x128xf32, #tpu.memory_space<vmem_shared>>
      %dma_start3A_1105 = tpu.memref_squeeze %dma_start3A_1104 : memref<1x1x128x128xf32, #tpu.memory_space<vmem_shared>> -> memref<128x128xf32, #tpu.memory_space<vmem_shared>>
      %dma_start3A_1106 = tpu.memref_slice %arg9[%dma_start3A_1097] : memref<2x!tpu.dma_semaphore, #tpu.memory_space<semaphore_mem>> -> memref<1x!tpu.dma_semaphore, #tpu.memory_space<semaphore_mem>>
      %dma_start3A_1107 = tpu.memref_squeeze %dma_start3A_1106 : memref<1x!tpu.dma_semaphore, #tpu.memory_space<semaphore_mem>> -> memref<!tpu.dma_semaphore, #tpu.memory_space<semaphore_mem>>
      %dma_start3A_1108 = arith.constant 0 : i32
      %dma_start3A_1109 = arith.constant 0 : i32
      %dma_start3A_1110 = tpu.memref_slice %arg7[%arg1, %dma_start3A_1096, %dma_start3A_1108, %dma_start3A_1109] : memref<16x2x128x128xf32, #tpu.memory_space<vmem_shared>> -> memref<1x1x128x128xf32, #tpu.memory_space<vmem_shared>>
      %dma_start3A_1111 = tpu.memref_squeeze %dma_start3A_1110 : memref<1x1x128x128xf32, #tpu.memory_space<vmem_shared>> -> memref<128x128xf32, #tpu.memory_space<vmem_shared>>
      %dma_start3A_1112 = arith.constant 0 : i32
      %dma_start3A_1113 = arith.constant 0 : i32
      %dma_start3A_1114 = tpu.memref_slice %arg6[%dma_start3A_1095, %dma_start3A_1112, %dma_start3A_1113] : memref<4x128x128xf32, #tpu.memory_space<vmem>> -> memref<1x128x128xf32, #tpu.memory_space<vmem>>
      %dma_start3A_1115 = tpu.memref_squeeze %dma_start3A_1114 : memref<1x128x128xf32, #tpu.memory_space<vmem>> -> memref<128x128xf32, #tpu.memory_space<vmem>>
      tpu.enqueue_dma source(%dma_start3A_1115 : memref<128x128xf32, #tpu.memory_space<vmem>>) target(%dma_start3A_1111 : memref<128x128xf32, #tpu.memory_space<vmem_shared>>) target_semaphore(%dma_start3A_1107 : memref<!tpu.dma_semaphore, #tpu.memory_space<semaphore_mem>>)
      %dma_wait3A_1116 = arith.constant 0 : i32
      %dma_wait3A_1117 = arith.constant 0 : i32
      %dma_wait3A_1118 = arith.constant 0 : i32
      %dma_wait3A_1119 = arith.constant 0 : i32
      %dma_wait3A_1120 = arith.constant 0 : i32
      %dma_wait3A_1121 = tpu.memref_slice %arg6[%dma_wait3A_1116, %dma_wait3A_1119, %dma_wait3A_1120] : memref<4x128x128xf32, #tpu.memory_space<vmem>> -> memref<1x128x128xf32, #tpu.memory_space<vmem>>
      %dma_wait3A_1122 = tpu.memref_squeeze %dma_wait3A_1121 : memref<1x128x128xf32, #tpu.memory_space<vmem>> -> memref<128x128xf32, #tpu.memory_space<vmem>>
      %dma_wait3A_1123 = arith.constant 0 : i32
      %dma_wait3A_1124 = arith.constant 0 : i32
      %dma_wait3A_1125 = tpu.memref_slice %arg7[%arg1, %dma_wait3A_1117, %dma_wait3A_1123, %dma_wait3A_1124] : memref<16x2x128x128xf32, #tpu.memory_space<vmem_shared>> -> memref<1x1x128x128xf32, #tpu.memory_space<vmem_shared>>
      %dma_wait3A_1126 = tpu.memref_squeeze %dma_wait3A_1125 : memref<1x1x128x128xf32, #tpu.memory_space<vmem_shared>> -> memref<128x128xf32, #tpu.memory_space<vmem_shared>>
      %dma_wait3A_1127 = tpu.memref_slice %arg9[%dma_wait3A_1118] : memref<2x!tpu.dma_semaphore, #tpu.memory_space<semaphore_mem>> -> memref<1x!tpu.dma_semaphore, #tpu.memory_space<semaphore_mem>>
      %dma_wait3A_1128 = tpu.memref_squeeze %dma_wait3A_1127 : memref<1x!tpu.dma_semaphore, #tpu.memory_space<semaphore_mem>> -> memref<!tpu.dma_semaphore, #tpu.memory_space<semaphore_mem>>
      %dma_wait3A_1129 = arith.constant 0 : i32
      %dma_wait3A_1130 = arith.constant 0 : i32
      %dma_wait3A_1131 = tpu.memref_slice %arg7[%arg1, %dma_wait3A_1117, %dma_wait3A_1129, %dma_wait3A_1130] : memref<16x2x128x128xf32, #tpu.memory_space<vmem_shared>> -> memref<1x1x128x128xf32, #tpu.memory_space<vmem_shared>>
      %dma_wait3A_1132 = tpu.memref_squeeze %dma_wait3A_1131 : memref<1x1x128x128xf32, #tpu.memory_space<vmem_shared>> -> memref<128x128xf32, #tpu.memory_space<vmem_shared>>
      %dma_wait3A_1133 = arith.constant 0 : i32
      %dma_wait3A_1134 = arith.constant 0 : i32
      %dma_wait3A_1135 = tpu.memref_slice %arg6[%dma_wait3A_1116, %dma_wait3A_1133, %dma_wait3A_1134] : memref<4x128x128xf32, #tpu.memory_space<vmem>> -> memref<1x128x128xf32, #tpu.memory_space<vmem>>
      %dma_wait3A_1136 = tpu.memref_squeeze %dma_wait3A_1135 : memref<1x128x128xf32, #tpu.memory_space<vmem>> -> memref<128x128xf32, #tpu.memory_space<vmem>>
      tpu.wait_dma2 semaphore(%dma_wait3A_1128 : memref<!tpu.dma_semaphore, #tpu.memory_space<semaphore_mem>>) src(%dma_wait3A_1136 : memref<128x128xf32, #tpu.memory_space<vmem>>) dst(%dma_wait3A_1132 : memref<128x128xf32, #tpu.memory_space<vmem_shared>>)
      %sub3A_1137 = arith.constant 1 : i32
      %sub3A_1138 = arith.subi %add3A_1069, %sub3A_1137 : i32
      %mul3A_1139 = arith.constant 128 : i32
      %mul3A_1140 = arith.muli %sub3A_1138, %mul3A_1139 : i32
      %add3A_1141 = arith.addi %mul3A_2, %mul3A_1140 : i32
      %dma_start3A_1142 = arith.constant 0 : i32
      %dma_start3A_1143 = arith.constant 0 : i32
      %dma_start3A_1144 = tpu.memref_slice %arg10[%dma_start3A_1143] : memref<2x!tpu.dma_semaphore, #tpu.memory_space<semaphore_mem>> -> memref<1x!tpu.dma_semaphore, #tpu.memory_space<semaphore_mem>>
      %dma_start3A_1145 = tpu.memref_squeeze %dma_start3A_1144 : memref<1x!tpu.dma_semaphore, #tpu.memory_space<semaphore_mem>> -> memref<!tpu.dma_semaphore, #tpu.memory_space<semaphore_mem>>
      %dma_start3A_1146 = arith.constant 0 : i32
      %dma_start3A_1147 = tpu.memref_slice %arg4[%add3A_1141, %dma_start3A_1146] : memref<819200x128xf32, #tpu.memory_space<hbm>> -> memref<128x128xf32, #tpu.memory_space<hbm>>
      %dma_start3A_1148 = arith.constant 0 : i32
      %dma_start3A_1149 = arith.constant 0 : i32
      %dma_start3A_1150 = tpu.memref_slice %arg7[%arg1, %dma_start3A_1142, %dma_start3A_1148, %dma_start3A_1149] : memref<16x2x128x128xf32, #tpu.memory_space<vmem_shared>> -> memref<1x1x128x128xf32, #tpu.memory_space<vmem_shared>>
      %dma_start3A_1151 = tpu.memref_squeeze %dma_start3A_1150 : memref<1x1x128x128xf32, #tpu.memory_space<vmem_shared>> -> memref<128x128xf32, #tpu.memory_space<vmem_shared>>
      tpu.enqueue_dma source(%dma_start3A_1151 : memref<128x128xf32, #tpu.memory_space<vmem_shared>>) target(%dma_start3A_1147 : memref<128x128xf32, #tpu.memory_space<hbm>>) target_semaphore(%dma_start3A_1145 : memref<!tpu.dma_semaphore, #tpu.memory_space<semaphore_mem>>)
      %add3A_1152 = arith.constant 4 : i32
      %add3A_1153 = arith.addi %add3A_1069, %add3A_1152 : i32
      %sub3A_1154 = arith.constant 1 : i32
      %sub3A_1155 = arith.subi %add3A_1153, %sub3A_1154 : i32
      %dma_start3A_1156 = arith.constant 2 : i32
      %dma_start3A_1157 = arith.constant 2 : i32
      %dma_start3A_1158 = arith.constant 0 : i32
      %dma_start3A_1159 = arith.constant 0 : i32
      %dma_start3A_1160 = tpu.memref_slice %arg6[%dma_start3A_1156, %dma_start3A_1158, %dma_start3A_1159] : memref<4x128x128xf32, #tpu.memory_space<vmem>> -> memref<1x128x128xf32, #tpu.memory_space<vmem>>
      %dma_start3A_1161 = tpu.memref_squeeze %dma_start3A_1160 : memref<1x128x128xf32, #tpu.memory_space<vmem>> -> memref<128x128xf32, #tpu.memory_space<vmem>>
      %dma_start3A_1162 = arith.constant 0 : i32
      %dma_start3A_1163 = tpu.memref_slice %arg5[%sub3A_1155, %dma_start3A_1162] : memref<200x128xi32, #tpu.memory_space<vmem>> -> memref<1x128xi32, #tpu.memory_space<vmem>>
      %dma_start3A_1164 = tpu.memref_squeeze %dma_start3A_1163 : memref<1x128xi32, #tpu.memory_space<vmem>> -> memref<128xi32, #tpu.memory_space<vmem>>
      %dma_start3A_1165 = arith.constant 0 : i32
      %dma_start3A_1166 = arith.constant 0 : i32
      %dma_start3A_1167 = tpu.memref_slice %arg3[%dma_start3A_1165, %dma_start3A_1166] : memref<100000x128xf32, #tpu.memory_space<hbm>> -> memref<100000x128xf32, #tpu.memory_space<hbm>>
      %dma_start3A_1168 = tpu.memref_slice %arg8[%dma_start3A_1157] : memref<4x!tpu.dma_semaphore, #tpu.memory_space<semaphore_mem>> -> memref<1x!tpu.dma_semaphore, #tpu.memory_space<semaphore_mem>>
      %dma_start3A_1169 = tpu.memref_squeeze %dma_start3A_1168 : memref<1x!tpu.dma_semaphore, #tpu.memory_space<semaphore_mem>> -> memref<!tpu.dma_semaphore, #tpu.memory_space<semaphore_mem>>
      tpu.enqueue_indirect_dma source(%dma_start3A_1167 : memref<100000x128xf32, #tpu.memory_space<hbm>>) target(%dma_start3A_1161 : memref<128x128xf32, #tpu.memory_space<vmem>>) offsets(%dma_start3A_1164 : memref<128xi32, #tpu.memory_space<vmem>>) semaphore(%dma_start3A_1169 : memref<!tpu.dma_semaphore, #tpu.memory_space<semaphore_mem>>)
    }
    %scan3A_373 = arith.constant 48 : i32
    %dma_wait3A_374 = arith.constant 0 : i32
    %dma_wait3A_375 = arith.constant 0 : i32
    %dma_wait3A_376 = arith.constant 0 : i32
    %dma_wait3A_377 = arith.constant 0 : i32
    %dma_wait3A_378 = arith.constant 0 : i32
    %dma_wait3A_379 = tpu.memref_slice %arg6[%dma_wait3A_375, %dma_wait3A_377, %dma_wait3A_378] : memref<4x128x128xf32, #tpu.memory_space<vmem>> -> memref<1x128x128xf32, #tpu.memory_space<vmem>>
    %dma_wait3A_380 = tpu.memref_squeeze %dma_wait3A_379 : memref<1x128x128xf32, #tpu.memory_space<vmem>> -> memref<128x128xf32, #tpu.memory_space<vmem>>
    %dma_wait3A_381 = arith.constant 0 : i32
    %dma_wait3A_382 = tpu.memref_slice %arg5[%dma_wait3A_374, %dma_wait3A_381] : memref<200x128xi32, #tpu.memory_space<vmem>> -> memref<1x128xi32, #tpu.memory_space<vmem>>
    %dma_wait3A_383 = tpu.memref_squeeze %dma_wait3A_382 : memref<1x128xi32, #tpu.memory_space<vmem>> -> memref<128xi32, #tpu.memory_space<vmem>>
    %dma_wait3A_384 = arith.constant 0 : i32
    %dma_wait3A_385 = arith.constant 0 : i32
    %dma_wait3A_386 = tpu.memref_slice %arg3[%dma_wait3A_384, %dma_wait3A_385] : memref<100000x128xf32, #tpu.memory_space<hbm>> -> memref<100000x128xf32, #tpu.memory_space<hbm>>
    %dma_wait3A_387 = tpu.memref_slice %arg8[%dma_wait3A_376] : memref<4x!tpu.dma_semaphore, #tpu.memory_space<semaphore_mem>> -> memref<1x!tpu.dma_semaphore, #tpu.memory_space<semaphore_mem>>
    %dma_wait3A_388 = tpu.memref_squeeze %dma_wait3A_387 : memref<1x!tpu.dma_semaphore, #tpu.memory_space<semaphore_mem>> -> memref<!tpu.dma_semaphore, #tpu.memory_space<semaphore_mem>>
    tpu.wait_indirect_dma semaphore(%dma_wait3A_388 : memref<!tpu.dma_semaphore, #tpu.memory_space<semaphore_mem>>) src(%dma_wait3A_386 : memref<100000x128xf32, #tpu.memory_space<hbm>>) dst(%dma_wait3A_380 : memref<128x128xf32, #tpu.memory_space<vmem>>)
    %dma_wait3A_389 = arith.constant 0 : i32
    %dma_wait3A_390 = arith.constant 0 : i32
    %dma_wait3A_391 = tpu.memref_slice %arg10[%dma_wait3A_390] : memref<2x!tpu.dma_semaphore, #tpu.memory_space<semaphore_mem>> -> memref<1x!tpu.dma_semaphore, #tpu.memory_space<semaphore_mem>>
    %dma_wait3A_392 = tpu.memref_squeeze %dma_wait3A_391 : memref<1x!tpu.dma_semaphore, #tpu.memory_space<semaphore_mem>> -> memref<!tpu.dma_semaphore, #tpu.memory_space<semaphore_mem>>
    %dma_wait3A_393 = arith.constant 0 : i32
    %dma_wait3A_394 = tpu.memref_slice %arg4[%mul3A_2, %dma_wait3A_393] : memref<819200x128xf32, #tpu.memory_space<hbm>> -> memref<128x128xf32, #tpu.memory_space<hbm>>
    %dma_wait3A_395 = arith.constant 0 : i32
    %dma_wait3A_396 = arith.constant 0 : i32
    %dma_wait3A_397 = tpu.memref_slice %arg7[%arg1, %dma_wait3A_389, %dma_wait3A_395, %dma_wait3A_396] : memref<16x2x128x128xf32, #tpu.memory_space<vmem_shared>> -> memref<1x1x128x128xf32, #tpu.memory_space<vmem_shared>>
    %dma_wait3A_398 = tpu.memref_squeeze %dma_wait3A_397 : memref<1x1x128x128xf32, #tpu.memory_space<vmem_shared>> -> memref<128x128xf32, #tpu.memory_space<vmem_shared>>
    tpu.wait_dma2 semaphore(%dma_wait3A_392 : memref<!tpu.dma_semaphore, #tpu.memory_space<semaphore_mem>>) src(%dma_wait3A_398 : memref<128x128xf32, #tpu.memory_space<vmem_shared>>) dst(%dma_wait3A_394 : memref<128x128xf32, #tpu.memory_space<hbm>>)
    %dma_start3A_399 = arith.constant 0 : i32
    %dma_start3A_400 = arith.constant 0 : i32
    %dma_start3A_401 = arith.constant 0 : i32
    %dma_start3A_402 = arith.constant 0 : i32
    %dma_start3A_403 = arith.constant 0 : i32
    %dma_start3A_404 = tpu.memref_slice %arg6[%dma_start3A_399, %dma_start3A_402, %dma_start3A_403] : memref<4x128x128xf32, #tpu.memory_space<vmem>> -> memref<1x128x128xf32, #tpu.memory_space<vmem>>
    %dma_start3A_405 = tpu.memref_squeeze %dma_start3A_404 : memref<1x128x128xf32, #tpu.memory_space<vmem>> -> memref<128x128xf32, #tpu.memory_space<vmem>>
    %dma_start3A_406 = arith.constant 0 : i32
    %dma_start3A_407 = arith.constant 0 : i32
    %dma_start3A_408 = tpu.memref_slice %arg7[%arg1, %dma_start3A_400, %dma_start3A_406, %dma_start3A_407] : memref<16x2x128x128xf32, #tpu.memory_space<vmem_shared>> -> memref<1x1x128x128xf32, #tpu.memory_space<vmem_shared>>
    %dma_start3A_409 = tpu.memref_squeeze %dma_start3A_408 : memref<1x1x128x128xf32, #tpu.memory_space<vmem_shared>> -> memref<128x128xf32, #tpu.memory_space<vmem_shared>>
    %dma_start3A_410 = tpu.memref_slice %arg9[%dma_start3A_401] : memref<2x!tpu.dma_semaphore, #tpu.memory_space<semaphore_mem>> -> memref<1x!tpu.dma_semaphore, #tpu.memory_space<semaphore_mem>>
    %dma_start3A_411 = tpu.memref_squeeze %dma_start3A_410 : memref<1x!tpu.dma_semaphore, #tpu.memory_space<semaphore_mem>> -> memref<!tpu.dma_semaphore, #tpu.memory_space<semaphore_mem>>
    %dma_start3A_412 = arith.constant 0 : i32
    %dma_start3A_413 = arith.constant 0 : i32
    %dma_start3A_414 = tpu.memref_slice %arg7[%arg1, %dma_start3A_400, %dma_start3A_412, %dma_start3A_413] : memref<16x2x128x128xf32, #tpu.memory_space<vmem_shared>> -> memref<1x1x128x128xf32, #tpu.memory_space<vmem_shared>>
    %dma_start3A_415 = tpu.memref_squeeze %dma_start3A_414 : memref<1x1x128x128xf32, #tpu.memory_space<vmem_shared>> -> memref<128x128xf32, #tpu.memory_space<vmem_shared>>
    %dma_start3A_416 = arith.constant 0 : i32
    %dma_start3A_417 = arith.constant 0 : i32
    %dma_start3A_418 = tpu.memref_slice %arg6[%dma_start3A_399, %dma_start3A_416, %dma_start3A_417] : memref<4x128x128xf32, #tpu.memory_space<vmem>> -> memref<1x128x128xf32, #tpu.memory_space<vmem>>
    %dma_start3A_419 = tpu.memref_squeeze %dma_start3A_418 : memref<1x128x128xf32, #tpu.memory_space<vmem>> -> memref<128x128xf32, #tpu.memory_space<vmem>>
    tpu.enqueue_dma source(%dma_start3A_419 : memref<128x128xf32, #tpu.memory_space<vmem>>) target(%dma_start3A_415 : memref<128x128xf32, #tpu.memory_space<vmem_shared>>) target_semaphore(%dma_start3A_411 : memref<!tpu.dma_semaphore, #tpu.memory_space<semaphore_mem>>)
    %dma_wait3A_420 = arith.constant 0 : i32
    %dma_wait3A_421 = arith.constant 1 : i32
    %dma_wait3A_422 = arith.constant 1 : i32
    %dma_wait3A_423 = arith.constant 0 : i32
    %dma_wait3A_424 = arith.constant 0 : i32
    %dma_wait3A_425 = tpu.memref_slice %arg6[%dma_wait3A_420, %dma_wait3A_423, %dma_wait3A_424] : memref<4x128x128xf32, #tpu.memory_space<vmem>> -> memref<1x128x128xf32, #tpu.memory_space<vmem>>
    %dma_wait3A_426 = tpu.memref_squeeze %dma_wait3A_425 : memref<1x128x128xf32, #tpu.memory_space<vmem>> -> memref<128x128xf32, #tpu.memory_space<vmem>>
    %dma_wait3A_427 = arith.constant 0 : i32
    %dma_wait3A_428 = arith.constant 0 : i32
    %dma_wait3A_429 = tpu.memref_slice %arg7[%arg1, %dma_wait3A_421, %dma_wait3A_427, %dma_wait3A_428] : memref<16x2x128x128xf32, #tpu.memory_space<vmem_shared>> -> memref<1x1x128x128xf32, #tpu.memory_space<vmem_shared>>
    %dma_wait3A_430 = tpu.memref_squeeze %dma_wait3A_429 : memref<1x1x128x128xf32, #tpu.memory_space<vmem_shared>> -> memref<128x128xf32, #tpu.memory_space<vmem_shared>>
    %dma_wait3A_431 = tpu.memref_slice %arg9[%dma_wait3A_422] : memref<2x!tpu.dma_semaphore, #tpu.memory_space<semaphore_mem>> -> memref<1x!tpu.dma_semaphore, #tpu.memory_space<semaphore_mem>>
    %dma_wait3A_432 = tpu.memref_squeeze %dma_wait3A_431 : memref<1x!tpu.dma_semaphore, #tpu.memory_space<semaphore_mem>> -> memref<!tpu.dma_semaphore, #tpu.memory_space<semaphore_mem>>
    %dma_wait3A_433 = arith.constant 0 : i32
    %dma_wait3A_434 = arith.constant 0 : i32
    %dma_wait3A_435 = tpu.memref_slice %arg7[%arg1, %dma_wait3A_421, %dma_wait3A_433, %dma_wait3A_434] : memref<16x2x128x128xf32, #tpu.memory_space<vmem_shared>> -> memref<1x1x128x128xf32, #tpu.memory_space<vmem_shared>>
    %dma_wait3A_436 = tpu.memref_squeeze %dma_wait3A_435 : memref<1x1x128x128xf32, #tpu.memory_space<vmem_shared>> -> memref<128x128xf32, #tpu.memory_space<vmem_shared>>
    %dma_wait3A_437 = arith.constant 0 : i32
    %dma_wait3A_438 = arith.constant 0 : i32
    %dma_wait3A_439 = tpu.memref_slice %arg6[%dma_wait3A_420, %dma_wait3A_437, %dma_wait3A_438] : memref<4x128x128xf32, #tpu.memory_space<vmem>> -> memref<1x128x128xf32, #tpu.memory_space<vmem>>
    %dma_wait3A_440 = tpu.memref_squeeze %dma_wait3A_439 : memref<1x128x128xf32, #tpu.memory_space<vmem>> -> memref<128x128xf32, #tpu.memory_space<vmem>>
    tpu.wait_dma2 semaphore(%dma_wait3A_432 : memref<!tpu.dma_semaphore, #tpu.memory_space<semaphore_mem>>) src(%dma_wait3A_440 : memref<128x128xf32, #tpu.memory_space<vmem>>) dst(%dma_wait3A_436 : memref<128x128xf32, #tpu.memory_space<vmem_shared>>)
    %add3A_441 = arith.constant 24960 : i32
    %add3A_442 = arith.addi %mul3A_2, %add3A_441 : i32
    %dma_start3A_443 = arith.constant 1 : i32
    %dma_start3A_444 = arith.constant 1 : i32
    %dma_start3A_445 = tpu.memref_slice %arg10[%dma_start3A_444] : memref<2x!tpu.dma_semaphore, #tpu.memory_space<semaphore_mem>> -> memref<1x!tpu.dma_semaphore, #tpu.memory_space<semaphore_mem>>
    %dma_start3A_446 = tpu.memref_squeeze %dma_start3A_445 : memref<1x!tpu.dma_semaphore, #tpu.memory_space<semaphore_mem>> -> memref<!tpu.dma_semaphore, #tpu.memory_space<semaphore_mem>>
    %dma_start3A_447 = arith.constant 0 : i32
    %dma_start3A_448 = tpu.memref_slice %arg4[%add3A_442, %dma_start3A_447] : memref<819200x128xf32, #tpu.memory_space<hbm>> -> memref<128x128xf32, #tpu.memory_space<hbm>>
    %dma_start3A_449 = arith.constant 0 : i32
    %dma_start3A_450 = arith.constant 0 : i32
    %dma_start3A_451 = tpu.memref_slice %arg7[%arg1, %dma_start3A_443, %dma_start3A_449, %dma_start3A_450] : memref<16x2x128x128xf32, #tpu.memory_space<vmem_shared>> -> memref<1x1x128x128xf32, #tpu.memory_space<vmem_shared>>
    %dma_start3A_452 = tpu.memref_squeeze %dma_start3A_451 : memref<1x1x128x128xf32, #tpu.memory_space<vmem_shared>> -> memref<128x128xf32, #tpu.memory_space<vmem_shared>>
    tpu.enqueue_dma source(%dma_start3A_452 : memref<128x128xf32, #tpu.memory_space<vmem_shared>>) target(%dma_start3A_448 : memref<128x128xf32, #tpu.memory_space<hbm>>) target_semaphore(%dma_start3A_446 : memref<!tpu.dma_semaphore, #tpu.memory_space<semaphore_mem>>)
    %dma_start3A_453 = arith.constant 199 : i32
    %dma_start3A_454 = arith.constant 3 : i32
    %dma_start3A_455 = arith.constant 3 : i32
    %dma_start3A_456 = arith.constant 0 : i32
    %dma_start3A_457 = arith.constant 0 : i32
    %dma_start3A_458 = tpu.memref_slice %arg6[%dma_start3A_454, %dma_start3A_456, %dma_start3A_457] : memref<4x128x128xf32, #tpu.memory_space<vmem>> -> memref<1x128x128xf32, #tpu.memory_space<vmem>>
    %dma_start3A_459 = tpu.memref_squeeze %dma_start3A_458 : memref<1x128x128xf32, #tpu.memory_space<vmem>> -> memref<128x128xf32, #tpu.memory_space<vmem>>
    %dma_start3A_460 = arith.constant 0 : i32
    %dma_start3A_461 = tpu.memref_slice %arg5[%dma_start3A_453, %dma_start3A_460] : memref<200x128xi32, #tpu.memory_space<vmem>> -> memref<1x128xi32, #tpu.memory_space<vmem>>
    %dma_start3A_462 = tpu.memref_squeeze %dma_start3A_461 : memref<1x128xi32, #tpu.memory_space<vmem>> -> memref<128xi32, #tpu.memory_space<vmem>>
    %dma_start3A_463 = arith.constant 0 : i32
    %dma_start3A_464 = arith.constant 0 : i32
    %dma_start3A_465 = tpu.memref_slice %arg3[%dma_start3A_463, %dma_start3A_464] : memref<100000x128xf32, #tpu.memory_space<hbm>> -> memref<100000x128xf32, #tpu.memory_space<hbm>>
    %dma_start3A_466 = tpu.memref_slice %arg8[%dma_start3A_455] : memref<4x!tpu.dma_semaphore, #tpu.memory_space<semaphore_mem>> -> memref<1x!tpu.dma_semaphore, #tpu.memory_space<semaphore_mem>>
    %dma_start3A_467 = tpu.memref_squeeze %dma_start3A_466 : memref<1x!tpu.dma_semaphore, #tpu.memory_space<semaphore_mem>> -> memref<!tpu.dma_semaphore, #tpu.memory_space<semaphore_mem>>
    tpu.enqueue_indirect_dma source(%dma_start3A_465 : memref<100000x128xf32, #tpu.memory_space<hbm>>) target(%dma_start3A_459 : memref<128x128xf32, #tpu.memory_space<vmem>>) offsets(%dma_start3A_462 : memref<128xi32, #tpu.memory_space<vmem>>) semaphore(%dma_start3A_467 : memref<!tpu.dma_semaphore, #tpu.memory_space<semaphore_mem>>)
    %dma_wait3A_468 = arith.constant 0 : i32
    %dma_wait3A_469 = arith.constant 1 : i32
    %dma_wait3A_470 = arith.constant 1 : i32
    %dma_wait3A_471 = arith.constant 0 : i32
    %dma_wait3A_472 = arith.constant 0 : i32
    %dma_wait3A_473 = tpu.memref_slice %arg6[%dma_wait3A_469, %dma_wait3A_471, %dma_wait3A_472] : memref<4x128x128xf32, #tpu.memory_space<vmem>> -> memref<1x128x128xf32, #tpu.memory_space<vmem>>
    %dma_wait3A_474 = tpu.memref_squeeze %dma_wait3A_473 : memref<1x128x128xf32, #tpu.memory_space<vmem>> -> memref<128x128xf32, #tpu.memory_space<vmem>>
    %dma_wait3A_475 = arith.constant 0 : i32
    %dma_wait3A_476 = tpu.memref_slice %arg5[%dma_wait3A_468, %dma_wait3A_475] : memref<200x128xi32, #tpu.memory_space<vmem>> -> memref<1x128xi32, #tpu.memory_space<vmem>>
    %dma_wait3A_477 = tpu.memref_squeeze %dma_wait3A_476 : memref<1x128xi32, #tpu.memory_space<vmem>> -> memref<128xi32, #tpu.memory_space<vmem>>
    %dma_wait3A_478 = arith.constant 0 : i32
    %dma_wait3A_479 = arith.constant 0 : i32
    %dma_wait3A_480 = tpu.memref_slice %arg3[%dma_wait3A_478, %dma_wait3A_479] : memref<100000x128xf32, #tpu.memory_space<hbm>> -> memref<100000x128xf32, #tpu.memory_space<hbm>>
    %dma_wait3A_481 = tpu.memref_slice %arg8[%dma_wait3A_470] : memref<4x!tpu.dma_semaphore, #tpu.memory_space<semaphore_mem>> -> memref<1x!tpu.dma_semaphore, #tpu.memory_space<semaphore_mem>>
    %dma_wait3A_482 = tpu.memref_squeeze %dma_wait3A_481 : memref<1x!tpu.dma_semaphore, #tpu.memory_space<semaphore_mem>> -> memref<!tpu.dma_semaphore, #tpu.memory_space<semaphore_mem>>
    tpu.wait_indirect_dma semaphore(%dma_wait3A_482 : memref<!tpu.dma_semaphore, #tpu.memory_space<semaphore_mem>>) src(%dma_wait3A_480 : memref<100000x128xf32, #tpu.memory_space<hbm>>) dst(%dma_wait3A_474 : memref<128x128xf32, #tpu.memory_space<vmem>>)
    %dma_wait3A_483 = arith.constant 1 : i32
    %dma_wait3A_484 = arith.constant 1 : i32
    %dma_wait3A_485 = tpu.memref_slice %arg10[%dma_wait3A_484] : memref<2x!tpu.dma_semaphore, #tpu.memory_space<semaphore_mem>> -> memref<1x!tpu.dma_semaphore, #tpu.memory_space<semaphore_mem>>
    %dma_wait3A_486 = tpu.memref_squeeze %dma_wait3A_485 : memref<1x!tpu.dma_semaphore, #tpu.memory_space<semaphore_mem>> -> memref<!tpu.dma_semaphore, #tpu.memory_space<semaphore_mem>>
    %dma_wait3A_487 = arith.constant 0 : i32
    %dma_wait3A_488 = tpu.memref_slice %arg4[%mul3A_2, %dma_wait3A_487] : memref<819200x128xf32, #tpu.memory_space<hbm>> -> memref<128x128xf32, #tpu.memory_space<hbm>>
    %dma_wait3A_489 = arith.constant 0 : i32
    %dma_wait3A_490 = arith.constant 0 : i32
    %dma_wait3A_491 = tpu.memref_slice %arg7[%arg1, %dma_wait3A_483, %dma_wait3A_489, %dma_wait3A_490] : memref<16x2x128x128xf32, #tpu.memory_space<vmem_shared>> -> memref<1x1x128x128xf32, #tpu.memory_space<vmem_shared>>
    %dma_wait3A_492 = tpu.memref_squeeze %dma_wait3A_491 : memref<1x1x128x128xf32, #tpu.memory_space<vmem_shared>> -> memref<128x128xf32, #tpu.memory_space<vmem_shared>>
    tpu.wait_dma2 semaphore(%dma_wait3A_486 : memref<!tpu.dma_semaphore, #tpu.memory_space<semaphore_mem>>) src(%dma_wait3A_492 : memref<128x128xf32, #tpu.memory_space<vmem_shared>>) dst(%dma_wait3A_488 : memref<128x128xf32, #tpu.memory_space<hbm>>)
    %dma_start3A_493 = arith.constant 1 : i32
    %dma_start3A_494 = arith.constant 1 : i32
    %dma_start3A_495 = arith.constant 1 : i32
    %dma_start3A_496 = arith.constant 0 : i32
    %dma_start3A_497 = arith.constant 0 : i32
    %dma_start3A_498 = tpu.memref_slice %arg6[%dma_start3A_493, %dma_start3A_496, %dma_start3A_497] : memref<4x128x128xf32, #tpu.memory_space<vmem>> -> memref<1x128x128xf32, #tpu.memory_space<vmem>>
    %dma_start3A_499 = tpu.memref_squeeze %dma_start3A_498 : memref<1x128x128xf32, #tpu.memory_space<vmem>> -> memref<128x128xf32, #tpu.memory_space<vmem>>
    %dma_start3A_500 = arith.constant 0 : i32
    %dma_start3A_501 = arith.constant 0 : i32
    %dma_start3A_502 = tpu.memref_slice %arg7[%arg1, %dma_start3A_494, %dma_start3A_500, %dma_start3A_501] : memref<16x2x128x128xf32, #tpu.memory_space<vmem_shared>> -> memref<1x1x128x128xf32, #tpu.memory_space<vmem_shared>>
    %dma_start3A_503 = tpu.memref_squeeze %dma_start3A_502 : memref<1x1x128x128xf32, #tpu.memory_space<vmem_shared>> -> memref<128x128xf32, #tpu.memory_space<vmem_shared>>
    %dma_start3A_504 = tpu.memref_slice %arg9[%dma_start3A_495] : memref<2x!tpu.dma_semaphore, #tpu.memory_space<semaphore_mem>> -> memref<1x!tpu.dma_semaphore, #tpu.memory_space<semaphore_mem>>
    %dma_start3A_505 = tpu.memref_squeeze %dma_start3A_504 : memref<1x!tpu.dma_semaphore, #tpu.memory_space<semaphore_mem>> -> memref<!tpu.dma_semaphore, #tpu.memory_space<semaphore_mem>>
    %dma_start3A_506 = arith.constant 0 : i32
    %dma_start3A_507 = arith.constant 0 : i32
    %dma_start3A_508 = tpu.memref_slice %arg7[%arg1, %dma_start3A_494, %dma_start3A_506, %dma_start3A_507] : memref<16x2x128x128xf32, #tpu.memory_space<vmem_shared>> -> memref<1x1x128x128xf32, #tpu.memory_space<vmem_shared>>
    %dma_start3A_509 = tpu.memref_squeeze %dma_start3A_508 : memref<1x1x128x128xf32, #tpu.memory_space<vmem_shared>> -> memref<128x128xf32, #tpu.memory_space<vmem_shared>>
    %dma_start3A_510 = arith.constant 0 : i32
    %dma_start3A_511 = arith.constant 0 : i32
    %dma_start3A_512 = tpu.memref_slice %arg6[%dma_start3A_493, %dma_start3A_510, %dma_start3A_511] : memref<4x128x128xf32, #tpu.memory_space<vmem>> -> memref<1x128x128xf32, #tpu.memory_space<vmem>>
    %dma_start3A_513 = tpu.memref_squeeze %dma_start3A_512 : memref<1x128x128xf32, #tpu.memory_space<vmem>> -> memref<128x128xf32, #tpu.memory_space<vmem>>
    tpu.enqueue_dma source(%dma_start3A_513 : memref<128x128xf32, #tpu.memory_space<vmem>>) target(%dma_start3A_509 : memref<128x128xf32, #tpu.memory_space<vmem_shared>>) target_semaphore(%dma_start3A_505 : memref<!tpu.dma_semaphore, #tpu.memory_space<semaphore_mem>>)
    %dma_wait3A_514 = arith.constant 0 : i32
    %dma_wait3A_515 = arith.constant 0 : i32
    %dma_wait3A_516 = arith.constant 0 : i32
    %dma_wait3A_517 = arith.constant 0 : i32
    %dma_wait3A_518 = arith.constant 0 : i32
    %dma_wait3A_519 = tpu.memref_slice %arg6[%dma_wait3A_514, %dma_wait3A_517, %dma_wait3A_518] : memref<4x128x128xf32, #tpu.memory_space<vmem>> -> memref<1x128x128xf32, #tpu.memory_space<vmem>>
    %dma_wait3A_520 = tpu.memref_squeeze %dma_wait3A_519 : memref<1x128x128xf32, #tpu.memory_space<vmem>> -> memref<128x128xf32, #tpu.memory_space<vmem>>
    %dma_wait3A_521 = arith.constant 0 : i32
    %dma_wait3A_522 = arith.constant 0 : i32
    %dma_wait3A_523 = tpu.memref_slice %arg7[%arg1, %dma_wait3A_515, %dma_wait3A_521, %dma_wait3A_522] : memref<16x2x128x128xf32, #tpu.memory_space<vmem_shared>> -> memref<1x1x128x128xf32, #tpu.memory_space<vmem_shared>>
    %dma_wait3A_524 = tpu.memref_squeeze %dma_wait3A_523 : memref<1x1x128x128xf32, #tpu.memory_space<vmem_shared>> -> memref<128x128xf32, #tpu.memory_space<vmem_shared>>
    %dma_wait3A_525 = tpu.memref_slice %arg9[%dma_wait3A_516] : memref<2x!tpu.dma_semaphore, #tpu.memory_space<semaphore_mem>> -> memref<1x!tpu.dma_semaphore, #tpu.memory_space<semaphore_mem>>
    %dma_wait3A_526 = tpu.memref_squeeze %dma_wait3A_525 : memref<1x!tpu.dma_semaphore, #tpu.memory_space<semaphore_mem>> -> memref<!tpu.dma_semaphore, #tpu.memory_space<semaphore_mem>>
    %dma_wait3A_527 = arith.constant 0 : i32
    %dma_wait3A_528 = arith.constant 0 : i32
    %dma_wait3A_529 = tpu.memref_slice %arg7[%arg1, %dma_wait3A_515, %dma_wait3A_527, %dma_wait3A_528] : memref<16x2x128x128xf32, #tpu.memory_space<vmem_shared>> -> memref<1x1x128x128xf32, #tpu.memory_space<vmem_shared>>
    %dma_wait3A_530 = tpu.memref_squeeze %dma_wait3A_529 : memref<1x1x128x128xf32, #tpu.memory_space<vmem_shared>> -> memref<128x128xf32, #tpu.memory_space<vmem_shared>>
    %dma_wait3A_531 = arith.constant 0 : i32
    %dma_wait3A_532 = arith.constant 0 : i32
    %dma_wait3A_533 = tpu.memref_slice %arg6[%dma_wait3A_514, %dma_wait3A_531, %dma_wait3A_532] : memref<4x128x128xf32, #tpu.memory_space<vmem>> -> memref<1x128x128xf32, #tpu.memory_space<vmem>>
    %dma_wait3A_534 = tpu.memref_squeeze %dma_wait3A_533 : memref<1x128x128xf32, #tpu.memory_space<vmem>> -> memref<128x128xf32, #tpu.memory_space<vmem>>
    tpu.wait_dma2 semaphore(%dma_wait3A_526 : memref<!tpu.dma_semaphore, #tpu.memory_space<semaphore_mem>>) src(%dma_wait3A_534 : memref<128x128xf32, #tpu.memory_space<vmem>>) dst(%dma_wait3A_530 : memref<128x128xf32, #tpu.memory_space<vmem_shared>>)
    %add3A_535 = arith.constant 25088 : i32
    %add3A_536 = arith.addi %mul3A_2, %add3A_535 : i32
    %dma_start3A_537 = arith.constant 0 : i32
    %dma_start3A_538 = arith.constant 0 : i32
    %dma_start3A_539 = tpu.memref_slice %arg10[%dma_start3A_538] : memref<2x!tpu.dma_semaphore, #tpu.memory_space<semaphore_mem>> -> memref<1x!tpu.dma_semaphore, #tpu.memory_space<semaphore_mem>>
    %dma_start3A_540 = tpu.memref_squeeze %dma_start3A_539 : memref<1x!tpu.dma_semaphore, #tpu.memory_space<semaphore_mem>> -> memref<!tpu.dma_semaphore, #tpu.memory_space<semaphore_mem>>
    %dma_start3A_541 = arith.constant 0 : i32
    %dma_start3A_542 = tpu.memref_slice %arg4[%add3A_536, %dma_start3A_541] : memref<819200x128xf32, #tpu.memory_space<hbm>> -> memref<128x128xf32, #tpu.memory_space<hbm>>
    %dma_start3A_543 = arith.constant 0 : i32
    %dma_start3A_544 = arith.constant 0 : i32
    %dma_start3A_545 = tpu.memref_slice %arg7[%arg1, %dma_start3A_537, %dma_start3A_543, %dma_start3A_544] : memref<16x2x128x128xf32, #tpu.memory_space<vmem_shared>> -> memref<1x1x128x128xf32, #tpu.memory_space<vmem_shared>>
    %dma_start3A_546 = tpu.memref_squeeze %dma_start3A_545 : memref<1x1x128x128xf32, #tpu.memory_space<vmem_shared>> -> memref<128x128xf32, #tpu.memory_space<vmem_shared>>
    tpu.enqueue_dma source(%dma_start3A_546 : memref<128x128xf32, #tpu.memory_space<vmem_shared>>) target(%dma_start3A_542 : memref<128x128xf32, #tpu.memory_space<hbm>>) target_semaphore(%dma_start3A_540 : memref<!tpu.dma_semaphore, #tpu.memory_space<semaphore_mem>>)
    %dma_wait3A_547 = arith.constant 0 : i32
    %dma_wait3A_548 = arith.constant 2 : i32
    %dma_wait3A_549 = arith.constant 2 : i32
    %dma_wait3A_550 = arith.constant 0 : i32
    %dma_wait3A_551 = arith.constant 0 : i32
    %dma_wait3A_552 = tpu.memref_slice %arg6[%dma_wait3A_548, %dma_wait3A_550, %dma_wait3A_551] : memref<4x128x128xf32, #tpu.memory_space<vmem>> -> memref<1x128x128xf32, #tpu.memory_space<vmem>>
    %dma_wait3A_553 = tpu.memref_squeeze %dma_wait3A_552 : memref<1x128x128xf32, #tpu.memory_space<vmem>> -> memref<128x128xf32, #tpu.memory_space<vmem>>
    %dma_wait3A_554 = arith.constant 0 : i32
    %dma_wait3A_555 = tpu.memref_slice %arg5[%dma_wait3A_547, %dma_wait3A_554] : memref<200x128xi32, #tpu.memory_space<vmem>> -> memref<1x128xi32, #tpu.memory_space<vmem>>
    %dma_wait3A_556 = tpu.memref_squeeze %dma_wait3A_555 : memref<1x128xi32, #tpu.memory_space<vmem>> -> memref<128xi32, #tpu.memory_space<vmem>>
    %dma_wait3A_557 = arith.constant 0 : i32
    %dma_wait3A_558 = arith.constant 0 : i32
    %dma_wait3A_559 = tpu.memref_slice %arg3[%dma_wait3A_557, %dma_wait3A_558] : memref<100000x128xf32, #tpu.memory_space<hbm>> -> memref<100000x128xf32, #tpu.memory_space<hbm>>
    %dma_wait3A_560 = tpu.memref_slice %arg8[%dma_wait3A_549] : memref<4x!tpu.dma_semaphore, #tpu.memory_space<semaphore_mem>> -> memref<1x!tpu.dma_semaphore, #tpu.memory_space<semaphore_mem>>
    %dma_wait3A_561 = tpu.memref_squeeze %dma_wait3A_560 : memref<1x!tpu.dma_semaphore, #tpu.memory_space<semaphore_mem>> -> memref<!tpu.dma_semaphore, #tpu.memory_space<semaphore_mem>>
    tpu.wait_indirect_dma semaphore(%dma_wait3A_561 : memref<!tpu.dma_semaphore, #tpu.memory_space<semaphore_mem>>) src(%dma_wait3A_559 : memref<100000x128xf32, #tpu.memory_space<hbm>>) dst(%dma_wait3A_553 : memref<128x128xf32, #tpu.memory_space<vmem>>)
    %dma_wait3A_562 = arith.constant 0 : i32
    %dma_wait3A_563 = arith.constant 0 : i32
    %dma_wait3A_564 = tpu.memref_slice %arg10[%dma_wait3A_563] : memref<2x!tpu.dma_semaphore, #tpu.memory_space<semaphore_mem>> -> memref<1x!tpu.dma_semaphore, #tpu.memory_space<semaphore_mem>>
    %dma_wait3A_565 = tpu.memref_squeeze %dma_wait3A_564 : memref<1x!tpu.dma_semaphore, #tpu.memory_space<semaphore_mem>> -> memref<!tpu.dma_semaphore, #tpu.memory_space<semaphore_mem>>
    %dma_wait3A_566 = arith.constant 0 : i32
    %dma_wait3A_567 = tpu.memref_slice %arg4[%mul3A_2, %dma_wait3A_566] : memref<819200x128xf32, #tpu.memory_space<hbm>> -> memref<128x128xf32, #tpu.memory_space<hbm>>
    %dma_wait3A_568 = arith.constant 0 : i32
    %dma_wait3A_569 = arith.constant 0 : i32
    %dma_wait3A_570 = tpu.memref_slice %arg7[%arg1, %dma_wait3A_562, %dma_wait3A_568, %dma_wait3A_569] : memref<16x2x128x128xf32, #tpu.memory_space<vmem_shared>> -> memref<1x1x128x128xf32, #tpu.memory_space<vmem_shared>>
    %dma_wait3A_571 = tpu.memref_squeeze %dma_wait3A_570 : memref<1x1x128x128xf32, #tpu.memory_space<vmem_shared>> -> memref<128x128xf32, #tpu.memory_space<vmem_shared>>
    tpu.wait_dma2 semaphore(%dma_wait3A_565 : memref<!tpu.dma_semaphore, #tpu.memory_space<semaphore_mem>>) src(%dma_wait3A_571 : memref<128x128xf32, #tpu.memory_space<vmem_shared>>) dst(%dma_wait3A_567 : memref<128x128xf32, #tpu.memory_space<hbm>>)
    %dma_start3A_572 = arith.constant 2 : i32
    %dma_start3A_573 = arith.constant 0 : i32
    %dma_start3A_574 = arith.constant 0 : i32
    %dma_start3A_575 = arith.constant 0 : i32
    %dma_start3A_576 = arith.constant 0 : i32
    %dma_start3A_577 = tpu.memref_slice %arg6[%dma_start3A_572, %dma_start3A_575, %dma_start3A_576] : memref<4x128x128xf32, #tpu.memory_space<vmem>> -> memref<1x128x128xf32, #tpu.memory_space<vmem>>
    %dma_start3A_578 = tpu.memref_squeeze %dma_start3A_577 : memref<1x128x128xf32, #tpu.memory_space<vmem>> -> memref<128x128xf32, #tpu.memory_space<vmem>>
    %dma_start3A_579 = arith.constant 0 : i32
    %dma_start3A_580 = arith.constant 0 : i32
    %dma_start3A_581 = tpu.memref_slice %arg7[%arg1, %dma_start3A_573, %dma_start3A_579, %dma_start3A_580] : memref<16x2x128x128xf32, #tpu.memory_space<vmem_shared>> -> memref<1x1x128x128xf32, #tpu.memory_space<vmem_shared>>
    %dma_start3A_582 = tpu.memref_squeeze %dma_start3A_581 : memref<1x1x128x128xf32, #tpu.memory_space<vmem_shared>> -> memref<128x128xf32, #tpu.memory_space<vmem_shared>>
    %dma_start3A_583 = tpu.memref_slice %arg9[%dma_start3A_574] : memref<2x!tpu.dma_semaphore, #tpu.memory_space<semaphore_mem>> -> memref<1x!tpu.dma_semaphore, #tpu.memory_space<semaphore_mem>>
    %dma_start3A_584 = tpu.memref_squeeze %dma_start3A_583 : memref<1x!tpu.dma_semaphore, #tpu.memory_space<semaphore_mem>> -> memref<!tpu.dma_semaphore, #tpu.memory_space<semaphore_mem>>
    %dma_start3A_585 = arith.constant 0 : i32
    %dma_start3A_586 = arith.constant 0 : i32
    %dma_start3A_587 = tpu.memref_slice %arg7[%arg1, %dma_start3A_573, %dma_start3A_585, %dma_start3A_586] : memref<16x2x128x128xf32, #tpu.memory_space<vmem_shared>> -> memref<1x1x128x128xf32, #tpu.memory_space<vmem_shared>>
    %dma_start3A_588 = tpu.memref_squeeze %dma_start3A_587 : memref<1x1x128x128xf32, #tpu.memory_space<vmem_shared>> -> memref<128x128xf32, #tpu.memory_space<vmem_shared>>
    %dma_start3A_589 = arith.constant 0 : i32
    %dma_start3A_590 = arith.constant 0 : i32
    %dma_start3A_591 = tpu.memref_slice %arg6[%dma_start3A_572, %dma_start3A_589, %dma_start3A_590] : memref<4x128x128xf32, #tpu.memory_space<vmem>> -> memref<1x128x128xf32, #tpu.memory_space<vmem>>
    %dma_start3A_592 = tpu.memref_squeeze %dma_start3A_591 : memref<1x128x128xf32, #tpu.memory_space<vmem>> -> memref<128x128xf32, #tpu.memory_space<vmem>>
    tpu.enqueue_dma source(%dma_start3A_592 : memref<128x128xf32, #tpu.memory_space<vmem>>) target(%dma_start3A_588 : memref<128x128xf32, #tpu.memory_space<vmem_shared>>) target_semaphore(%dma_start3A_584 : memref<!tpu.dma_semaphore, #tpu.memory_space<semaphore_mem>>)
    %dma_wait3A_593 = arith.constant 0 : i32
    %dma_wait3A_594 = arith.constant 1 : i32
    %dma_wait3A_595 = arith.constant 1 : i32
    %dma_wait3A_596 = arith.constant 0 : i32
    %dma_wait3A_597 = arith.constant 0 : i32
    %dma_wait3A_598 = tpu.memref_slice %arg6[%dma_wait3A_593, %dma_wait3A_596, %dma_wait3A_597] : memref<4x128x128xf32, #tpu.memory_space<vmem>> -> memref<1x128x128xf32, #tpu.memory_space<vmem>>
    %dma_wait3A_599 = tpu.memref_squeeze %dma_wait3A_598 : memref<1x128x128xf32, #tpu.memory_space<vmem>> -> memref<128x128xf32, #tpu.memory_space<vmem>>
    %dma_wait3A_600 = arith.constant 0 : i32
    %dma_wait3A_601 = arith.constant 0 : i32
    %dma_wait3A_602 = tpu.memref_slice %arg7[%arg1, %dma_wait3A_594, %dma_wait3A_600, %dma_wait3A_601] : memref<16x2x128x128xf32, #tpu.memory_space<vmem_shared>> -> memref<1x1x128x128xf32, #tpu.memory_space<vmem_shared>>
    %dma_wait3A_603 = tpu.memref_squeeze %dma_wait3A_602 : memref<1x1x128x128xf32, #tpu.memory_space<vmem_shared>> -> memref<128x128xf32, #tpu.memory_space<vmem_shared>>
    %dma_wait3A_604 = tpu.memref_slice %arg9[%dma_wait3A_595] : memref<2x!tpu.dma_semaphore, #tpu.memory_space<semaphore_mem>> -> memref<1x!tpu.dma_semaphore, #tpu.memory_space<semaphore_mem>>
    %dma_wait3A_605 = tpu.memref_squeeze %dma_wait3A_604 : memref<1x!tpu.dma_semaphore, #tpu.memory_space<semaphore_mem>> -> memref<!tpu.dma_semaphore, #tpu.memory_space<semaphore_mem>>
    %dma_wait3A_606 = arith.constant 0 : i32
    %dma_wait3A_607 = arith.constant 0 : i32
    %dma_wait3A_608 = tpu.memref_slice %arg7[%arg1, %dma_wait3A_594, %dma_wait3A_606, %dma_wait3A_607] : memref<16x2x128x128xf32, #tpu.memory_space<vmem_shared>> -> memref<1x1x128x128xf32, #tpu.memory_space<vmem_shared>>
    %dma_wait3A_609 = tpu.memref_squeeze %dma_wait3A_608 : memref<1x1x128x128xf32, #tpu.memory_space<vmem_shared>> -> memref<128x128xf32, #tpu.memory_space<vmem_shared>>
    %dma_wait3A_610 = arith.constant 0 : i32
    %dma_wait3A_611 = arith.constant 0 : i32
    %dma_wait3A_612 = tpu.memref_slice %arg6[%dma_wait3A_593, %dma_wait3A_610, %dma_wait3A_611] : memref<4x128x128xf32, #tpu.memory_space<vmem>> -> memref<1x128x128xf32, #tpu.memory_space<vmem>>
    %dma_wait3A_613 = tpu.memref_squeeze %dma_wait3A_612 : memref<1x128x128xf32, #tpu.memory_space<vmem>> -> memref<128x128xf32, #tpu.memory_space<vmem>>
    tpu.wait_dma2 semaphore(%dma_wait3A_605 : memref<!tpu.dma_semaphore, #tpu.memory_space<semaphore_mem>>) src(%dma_wait3A_613 : memref<128x128xf32, #tpu.memory_space<vmem>>) dst(%dma_wait3A_609 : memref<128x128xf32, #tpu.memory_space<vmem_shared>>)
    %add3A_614 = arith.constant 25216 : i32
    %add3A_615 = arith.addi %mul3A_2, %add3A_614 : i32
    %dma_start3A_616 = arith.constant 1 : i32
    %dma_start3A_617 = arith.constant 1 : i32
    %dma_start3A_618 = tpu.memref_slice %arg10[%dma_start3A_617] : memref<2x!tpu.dma_semaphore, #tpu.memory_space<semaphore_mem>> -> memref<1x!tpu.dma_semaphore, #tpu.memory_space<semaphore_mem>>
    %dma_start3A_619 = tpu.memref_squeeze %dma_start3A_618 : memref<1x!tpu.dma_semaphore, #tpu.memory_space<semaphore_mem>> -> memref<!tpu.dma_semaphore, #tpu.memory_space<semaphore_mem>>
    %dma_start3A_620 = arith.constant 0 : i32
    %dma_start3A_621 = tpu.memref_slice %arg4[%add3A_615, %dma_start3A_620] : memref<819200x128xf32, #tpu.memory_space<hbm>> -> memref<128x128xf32, #tpu.memory_space<hbm>>
    %dma_start3A_622 = arith.constant 0 : i32
    %dma_start3A_623 = arith.constant 0 : i32
    %dma_start3A_624 = tpu.memref_slice %arg7[%arg1, %dma_start3A_616, %dma_start3A_622, %dma_start3A_623] : memref<16x2x128x128xf32, #tpu.memory_space<vmem_shared>> -> memref<1x1x128x128xf32, #tpu.memory_space<vmem_shared>>
    %dma_start3A_625 = tpu.memref_squeeze %dma_start3A_624 : memref<1x1x128x128xf32, #tpu.memory_space<vmem_shared>> -> memref<128x128xf32, #tpu.memory_space<vmem_shared>>
    tpu.enqueue_dma source(%dma_start3A_625 : memref<128x128xf32, #tpu.memory_space<vmem_shared>>) target(%dma_start3A_621 : memref<128x128xf32, #tpu.memory_space<hbm>>) target_semaphore(%dma_start3A_619 : memref<!tpu.dma_semaphore, #tpu.memory_space<semaphore_mem>>)
    %dma_wait3A_626 = arith.constant 0 : i32
    %dma_wait3A_627 = arith.constant 3 : i32
    %dma_wait3A_628 = arith.constant 3 : i32
    %dma_wait3A_629 = arith.constant 0 : i32
    %dma_wait3A_630 = arith.constant 0 : i32
    %dma_wait3A_631 = tpu.memref_slice %arg6[%dma_wait3A_627, %dma_wait3A_629, %dma_wait3A_630] : memref<4x128x128xf32, #tpu.memory_space<vmem>> -> memref<1x128x128xf32, #tpu.memory_space<vmem>>
    %dma_wait3A_632 = tpu.memref_squeeze %dma_wait3A_631 : memref<1x128x128xf32, #tpu.memory_space<vmem>> -> memref<128x128xf32, #tpu.memory_space<vmem>>
    %dma_wait3A_633 = arith.constant 0 : i32
    %dma_wait3A_634 = tpu.memref_slice %arg5[%dma_wait3A_626, %dma_wait3A_633] : memref<200x128xi32, #tpu.memory_space<vmem>> -> memref<1x128xi32, #tpu.memory_space<vmem>>
    %dma_wait3A_635 = tpu.memref_squeeze %dma_wait3A_634 : memref<1x128xi32, #tpu.memory_space<vmem>> -> memref<128xi32, #tpu.memory_space<vmem>>
    %dma_wait3A_636 = arith.constant 0 : i32
    %dma_wait3A_637 = arith.constant 0 : i32
    %dma_wait3A_638 = tpu.memref_slice %arg3[%dma_wait3A_636, %dma_wait3A_637] : memref<100000x128xf32, #tpu.memory_space<hbm>> -> memref<100000x128xf32, #tpu.memory_space<hbm>>
    %dma_wait3A_639 = tpu.memref_slice %arg8[%dma_wait3A_628] : memref<4x!tpu.dma_semaphore, #tpu.memory_space<semaphore_mem>> -> memref<1x!tpu.dma_semaphore, #tpu.memory_space<semaphore_mem>>
    %dma_wait3A_640 = tpu.memref_squeeze %dma_wait3A_639 : memref<1x!tpu.dma_semaphore, #tpu.memory_space<semaphore_mem>> -> memref<!tpu.dma_semaphore, #tpu.memory_space<semaphore_mem>>
    tpu.wait_indirect_dma semaphore(%dma_wait3A_640 : memref<!tpu.dma_semaphore, #tpu.memory_space<semaphore_mem>>) src(%dma_wait3A_638 : memref<100000x128xf32, #tpu.memory_space<hbm>>) dst(%dma_wait3A_632 : memref<128x128xf32, #tpu.memory_space<vmem>>)
    %dma_wait3A_641 = arith.constant 1 : i32
    %dma_wait3A_642 = arith.constant 1 : i32
    %dma_wait3A_643 = tpu.memref_slice %arg10[%dma_wait3A_642] : memref<2x!tpu.dma_semaphore, #tpu.memory_space<semaphore_mem>> -> memref<1x!tpu.dma_semaphore, #tpu.memory_space<semaphore_mem>>
    %dma_wait3A_644 = tpu.memref_squeeze %dma_wait3A_643 : memref<1x!tpu.dma_semaphore, #tpu.memory_space<semaphore_mem>> -> memref<!tpu.dma_semaphore, #tpu.memory_space<semaphore_mem>>
    %dma_wait3A_645 = arith.constant 0 : i32
    %dma_wait3A_646 = tpu.memref_slice %arg4[%mul3A_2, %dma_wait3A_645] : memref<819200x128xf32, #tpu.memory_space<hbm>> -> memref<128x128xf32, #tpu.memory_space<hbm>>
    %dma_wait3A_647 = arith.constant 0 : i32
    %dma_wait3A_648 = arith.constant 0 : i32
    %dma_wait3A_649 = tpu.memref_slice %arg7[%arg1, %dma_wait3A_641, %dma_wait3A_647, %dma_wait3A_648] : memref<16x2x128x128xf32, #tpu.memory_space<vmem_shared>> -> memref<1x1x128x128xf32, #tpu.memory_space<vmem_shared>>
    %dma_wait3A_650 = tpu.memref_squeeze %dma_wait3A_649 : memref<1x1x128x128xf32, #tpu.memory_space<vmem_shared>> -> memref<128x128xf32, #tpu.memory_space<vmem_shared>>
    tpu.wait_dma2 semaphore(%dma_wait3A_644 : memref<!tpu.dma_semaphore, #tpu.memory_space<semaphore_mem>>) src(%dma_wait3A_650 : memref<128x128xf32, #tpu.memory_space<vmem_shared>>) dst(%dma_wait3A_646 : memref<128x128xf32, #tpu.memory_space<hbm>>)
    %dma_start3A_651 = arith.constant 3 : i32
    %dma_start3A_652 = arith.constant 1 : i32
    %dma_start3A_653 = arith.constant 1 : i32
    %dma_start3A_654 = arith.constant 0 : i32
    %dma_start3A_655 = arith.constant 0 : i32
    %dma_start3A_656 = tpu.memref_slice %arg6[%dma_start3A_651, %dma_start3A_654, %dma_start3A_655] : memref<4x128x128xf32, #tpu.memory_space<vmem>> -> memref<1x128x128xf32, #tpu.memory_space<vmem>>
    %dma_start3A_657 = tpu.memref_squeeze %dma_start3A_656 : memref<1x128x128xf32, #tpu.memory_space<vmem>> -> memref<128x128xf32, #tpu.memory_space<vmem>>
    %dma_start3A_658 = arith.constant 0 : i32
    %dma_start3A_659 = arith.constant 0 : i32
    %dma_start3A_660 = tpu.memref_slice %arg7[%arg1, %dma_start3A_652, %dma_start3A_658, %dma_start3A_659] : memref<16x2x128x128xf32, #tpu.memory_space<vmem_shared>> -> memref<1x1x128x128xf32, #tpu.memory_space<vmem_shared>>
    %dma_start3A_661 = tpu.memref_squeeze %dma_start3A_660 : memref<1x1x128x128xf32, #tpu.memory_space<vmem_shared>> -> memref<128x128xf32, #tpu.memory_space<vmem_shared>>
    %dma_start3A_662 = tpu.memref_slice %arg9[%dma_start3A_653] : memref<2x!tpu.dma_semaphore, #tpu.memory_space<semaphore_mem>> -> memref<1x!tpu.dma_semaphore, #tpu.memory_space<semaphore_mem>>
    %dma_start3A_663 = tpu.memref_squeeze %dma_start3A_662 : memref<1x!tpu.dma_semaphore, #tpu.memory_space<semaphore_mem>> -> memref<!tpu.dma_semaphore, #tpu.memory_space<semaphore_mem>>
    %dma_start3A_664 = arith.constant 0 : i32
    %dma_start3A_665 = arith.constant 0 : i32
    %dma_start3A_666 = tpu.memref_slice %arg7[%arg1, %dma_start3A_652, %dma_start3A_664, %dma_start3A_665] : memref<16x2x128x128xf32, #tpu.memory_space<vmem_shared>> -> memref<1x1x128x128xf32, #tpu.memory_space<vmem_shared>>
    %dma_start3A_667 = tpu.memref_squeeze %dma_start3A_666 : memref<1x1x128x128xf32, #tpu.memory_space<vmem_shared>> -> memref<128x128xf32, #tpu.memory_space<vmem_shared>>
    %dma_start3A_668 = arith.constant 0 : i32
    %dma_start3A_669 = arith.constant 0 : i32
    %dma_start3A_670 = tpu.memref_slice %arg6[%dma_start3A_651, %dma_start3A_668, %dma_start3A_669] : memref<4x128x128xf32, #tpu.memory_space<vmem>> -> memref<1x128x128xf32, #tpu.memory_space<vmem>>
    %dma_start3A_671 = tpu.memref_squeeze %dma_start3A_670 : memref<1x128x128xf32, #tpu.memory_space<vmem>> -> memref<128x128xf32, #tpu.memory_space<vmem>>
    tpu.enqueue_dma source(%dma_start3A_671 : memref<128x128xf32, #tpu.memory_space<vmem>>) target(%dma_start3A_667 : memref<128x128xf32, #tpu.memory_space<vmem_shared>>) target_semaphore(%dma_start3A_663 : memref<!tpu.dma_semaphore, #tpu.memory_space<semaphore_mem>>)
    %dma_wait3A_672 = arith.constant 0 : i32
    %dma_wait3A_673 = arith.constant 0 : i32
    %dma_wait3A_674 = arith.constant 0 : i32
    %dma_wait3A_675 = arith.constant 0 : i32
    %dma_wait3A_676 = arith.constant 0 : i32
    %dma_wait3A_677 = tpu.memref_slice %arg6[%dma_wait3A_672, %dma_wait3A_675, %dma_wait3A_676] : memref<4x128x128xf32, #tpu.memory_space<vmem>> -> memref<1x128x128xf32, #tpu.memory_space<vmem>>
    %dma_wait3A_678 = tpu.memref_squeeze %dma_wait3A_677 : memref<1x128x128xf32, #tpu.memory_space<vmem>> -> memref<128x128xf32, #tpu.memory_space<vmem>>
    %dma_wait3A_679 = arith.constant 0 : i32
    %dma_wait3A_680 = arith.constant 0 : i32
    %dma_wait3A_681 = tpu.memref_slice %arg7[%arg1, %dma_wait3A_673, %dma_wait3A_679, %dma_wait3A_680] : memref<16x2x128x128xf32, #tpu.memory_space<vmem_shared>> -> memref<1x1x128x128xf32, #tpu.memory_space<vmem_shared>>
    %dma_wait3A_682 = tpu.memref_squeeze %dma_wait3A_681 : memref<1x1x128x128xf32, #tpu.memory_space<vmem_shared>> -> memref<128x128xf32, #tpu.memory_space<vmem_shared>>
    %dma_wait3A_683 = tpu.memref_slice %arg9[%dma_wait3A_674] : memref<2x!tpu.dma_semaphore, #tpu.memory_space<semaphore_mem>> -> memref<1x!tpu.dma_semaphore, #tpu.memory_space<semaphore_mem>>
    %dma_wait3A_684 = tpu.memref_squeeze %dma_wait3A_683 : memref<1x!tpu.dma_semaphore, #tpu.memory_space<semaphore_mem>> -> memref<!tpu.dma_semaphore, #tpu.memory_space<semaphore_mem>>
    %dma_wait3A_685 = arith.constant 0 : i32
    %dma_wait3A_686 = arith.constant 0 : i32
    %dma_wait3A_687 = tpu.memref_slice %arg7[%arg1, %dma_wait3A_673, %dma_wait3A_685, %dma_wait3A_686] : memref<16x2x128x128xf32, #tpu.memory_space<vmem_shared>> -> memref<1x1x128x128xf32, #tpu.memory_space<vmem_shared>>
    %dma_wait3A_688 = tpu.memref_squeeze %dma_wait3A_687 : memref<1x1x128x128xf32, #tpu.memory_space<vmem_shared>> -> memref<128x128xf32, #tpu.memory_space<vmem_shared>>
    %dma_wait3A_689 = arith.constant 0 : i32
    %dma_wait3A_690 = arith.constant 0 : i32
    %dma_wait3A_691 = tpu.memref_slice %arg6[%dma_wait3A_672, %dma_wait3A_689, %dma_wait3A_690] : memref<4x128x128xf32, #tpu.memory_space<vmem>> -> memref<1x128x128xf32, #tpu.memory_space<vmem>>
    %dma_wait3A_692 = tpu.memref_squeeze %dma_wait3A_691 : memref<1x128x128xf32, #tpu.memory_space<vmem>> -> memref<128x128xf32, #tpu.memory_space<vmem>>
    tpu.wait_dma2 semaphore(%dma_wait3A_684 : memref<!tpu.dma_semaphore, #tpu.memory_space<semaphore_mem>>) src(%dma_wait3A_692 : memref<128x128xf32, #tpu.memory_space<vmem>>) dst(%dma_wait3A_688 : memref<128x128xf32, #tpu.memory_space<vmem_shared>>)
    %add3A_693 = arith.constant 25344 : i32
    %add3A_694 = arith.addi %mul3A_2, %add3A_693 : i32
    %dma_start3A_695 = arith.constant 0 : i32
    %dma_start3A_696 = arith.constant 0 : i32
    %dma_start3A_697 = tpu.memref_slice %arg10[%dma_start3A_696] : memref<2x!tpu.dma_semaphore, #tpu.memory_space<semaphore_mem>> -> memref<1x!tpu.dma_semaphore, #tpu.memory_space<semaphore_mem>>
    %dma_start3A_698 = tpu.memref_squeeze %dma_start3A_697 : memref<1x!tpu.dma_semaphore, #tpu.memory_space<semaphore_mem>> -> memref<!tpu.dma_semaphore, #tpu.memory_space<semaphore_mem>>
    %dma_start3A_699 = arith.constant 0 : i32
    %dma_start3A_700 = tpu.memref_slice %arg4[%add3A_694, %dma_start3A_699] : memref<819200x128xf32, #tpu.memory_space<hbm>> -> memref<128x128xf32, #tpu.memory_space<hbm>>
    %dma_start3A_701 = arith.constant 0 : i32
    %dma_start3A_702 = arith.constant 0 : i32
    %dma_start3A_703 = tpu.memref_slice %arg7[%arg1, %dma_start3A_695, %dma_start3A_701, %dma_start3A_702] : memref<16x2x128x128xf32, #tpu.memory_space<vmem_shared>> -> memref<1x1x128x128xf32, #tpu.memory_space<vmem_shared>>
    %dma_start3A_704 = tpu.memref_squeeze %dma_start3A_703 : memref<1x1x128x128xf32, #tpu.memory_space<vmem_shared>> -> memref<128x128xf32, #tpu.memory_space<vmem_shared>>
    tpu.enqueue_dma source(%dma_start3A_704 : memref<128x128xf32, #tpu.memory_space<vmem_shared>>) target(%dma_start3A_700 : memref<128x128xf32, #tpu.memory_space<hbm>>) target_semaphore(%dma_start3A_698 : memref<!tpu.dma_semaphore, #tpu.memory_space<semaphore_mem>>)
    %dma_wait3A_705 = arith.constant 0 : i32
    %dma_wait3A_706 = arith.constant 1 : i32
    %dma_wait3A_707 = arith.constant 1 : i32
    %dma_wait3A_708 = arith.constant 0 : i32
    %dma_wait3A_709 = arith.constant 0 : i32
    %dma_wait3A_710 = tpu.memref_slice %arg6[%dma_wait3A_705, %dma_wait3A_708, %dma_wait3A_709] : memref<4x128x128xf32, #tpu.memory_space<vmem>> -> memref<1x128x128xf32, #tpu.memory_space<vmem>>
    %dma_wait3A_711 = tpu.memref_squeeze %dma_wait3A_710 : memref<1x128x128xf32, #tpu.memory_space<vmem>> -> memref<128x128xf32, #tpu.memory_space<vmem>>
    %dma_wait3A_712 = arith.constant 0 : i32
    %dma_wait3A_713 = arith.constant 0 : i32
    %dma_wait3A_714 = tpu.memref_slice %arg7[%arg1, %dma_wait3A_706, %dma_wait3A_712, %dma_wait3A_713] : memref<16x2x128x128xf32, #tpu.memory_space<vmem_shared>> -> memref<1x1x128x128xf32, #tpu.memory_space<vmem_shared>>
    %dma_wait3A_715 = tpu.memref_squeeze %dma_wait3A_714 : memref<1x1x128x128xf32, #tpu.memory_space<vmem_shared>> -> memref<128x128xf32, #tpu.memory_space<vmem_shared>>
    %dma_wait3A_716 = tpu.memref_slice %arg9[%dma_wait3A_707] : memref<2x!tpu.dma_semaphore, #tpu.memory_space<semaphore_mem>> -> memref<1x!tpu.dma_semaphore, #tpu.memory_space<semaphore_mem>>
    %dma_wait3A_717 = tpu.memref_squeeze %dma_wait3A_716 : memref<1x!tpu.dma_semaphore, #tpu.memory_space<semaphore_mem>> -> memref<!tpu.dma_semaphore, #tpu.memory_space<semaphore_mem>>
    %dma_wait3A_718 = arith.constant 0 : i32
    %dma_wait3A_719 = arith.constant 0 : i32
    %dma_wait3A_720 = tpu.memref_slice %arg7[%arg1, %dma_wait3A_706, %dma_wait3A_718, %dma_wait3A_719] : memref<16x2x128x128xf32, #tpu.memory_space<vmem_shared>> -> memref<1x1x128x128xf32, #tpu.memory_space<vmem_shared>>
    %dma_wait3A_721 = tpu.memref_squeeze %dma_wait3A_720 : memref<1x1x128x128xf32, #tpu.memory_space<vmem_shared>> -> memref<128x128xf32, #tpu.memory_space<vmem_shared>>
    %dma_wait3A_722 = arith.constant 0 : i32
    %dma_wait3A_723 = arith.constant 0 : i32
    %dma_wait3A_724 = tpu.memref_slice %arg6[%dma_wait3A_705, %dma_wait3A_722, %dma_wait3A_723] : memref<4x128x128xf32, #tpu.memory_space<vmem>> -> memref<1x128x128xf32, #tpu.memory_space<vmem>>
    %dma_wait3A_725 = tpu.memref_squeeze %dma_wait3A_724 : memref<1x128x128xf32, #tpu.memory_space<vmem>> -> memref<128x128xf32, #tpu.memory_space<vmem>>
    tpu.wait_dma2 semaphore(%dma_wait3A_717 : memref<!tpu.dma_semaphore, #tpu.memory_space<semaphore_mem>>) src(%dma_wait3A_725 : memref<128x128xf32, #tpu.memory_space<vmem>>) dst(%dma_wait3A_721 : memref<128x128xf32, #tpu.memory_space<vmem_shared>>)
    %add3A_726 = arith.constant 25472 : i32
    %add3A_727 = arith.addi %mul3A_2, %add3A_726 : i32
    %dma_start3A_728 = arith.constant 1 : i32
    %dma_start3A_729 = arith.constant 1 : i32
    %dma_start3A_730 = tpu.memref_slice %arg10[%dma_start3A_729] : memref<2x!tpu.dma_semaphore, #tpu.memory_space<semaphore_mem>> -> memref<1x!tpu.dma_semaphore, #tpu.memory_space<semaphore_mem>>
    %dma_start3A_731 = tpu.memref_squeeze %dma_start3A_730 : memref<1x!tpu.dma_semaphore, #tpu.memory_space<semaphore_mem>> -> memref<!tpu.dma_semaphore, #tpu.memory_space<semaphore_mem>>
    %dma_start3A_732 = arith.constant 0 : i32
    %dma_start3A_733 = tpu.memref_slice %arg4[%add3A_727, %dma_start3A_732] : memref<819200x128xf32, #tpu.memory_space<hbm>> -> memref<128x128xf32, #tpu.memory_space<hbm>>
    %dma_start3A_734 = arith.constant 0 : i32
    %dma_start3A_735 = arith.constant 0 : i32
    %dma_start3A_736 = tpu.memref_slice %arg7[%arg1, %dma_start3A_728, %dma_start3A_734, %dma_start3A_735] : memref<16x2x128x128xf32, #tpu.memory_space<vmem_shared>> -> memref<1x1x128x128xf32, #tpu.memory_space<vmem_shared>>
    %dma_start3A_737 = tpu.memref_squeeze %dma_start3A_736 : memref<1x1x128x128xf32, #tpu.memory_space<vmem_shared>> -> memref<128x128xf32, #tpu.memory_space<vmem_shared>>
    tpu.enqueue_dma source(%dma_start3A_737 : memref<128x128xf32, #tpu.memory_space<vmem_shared>>) target(%dma_start3A_733 : memref<128x128xf32, #tpu.memory_space<hbm>>) target_semaphore(%dma_start3A_731 : memref<!tpu.dma_semaphore, #tpu.memory_space<semaphore_mem>>)
    %dma_wait3A_738 = arith.constant 0 : i32
    %dma_wait3A_739 = arith.constant 0 : i32
    %dma_wait3A_740 = tpu.memref_slice %arg10[%dma_wait3A_739] : memref<2x!tpu.dma_semaphore, #tpu.memory_space<semaphore_mem>> -> memref<1x!tpu.dma_semaphore, #tpu.memory_space<semaphore_mem>>
    %dma_wait3A_741 = tpu.memref_squeeze %dma_wait3A_740 : memref<1x!tpu.dma_semaphore, #tpu.memory_space<semaphore_mem>> -> memref<!tpu.dma_semaphore, #tpu.memory_space<semaphore_mem>>
    %dma_wait3A_742 = arith.constant 0 : i32
    %dma_wait3A_743 = tpu.memref_slice %arg4[%mul3A_2, %dma_wait3A_742] : memref<819200x128xf32, #tpu.memory_space<hbm>> -> memref<128x128xf32, #tpu.memory_space<hbm>>
    %dma_wait3A_744 = arith.constant 0 : i32
    %dma_wait3A_745 = arith.constant 0 : i32
    %dma_wait3A_746 = tpu.memref_slice %arg7[%arg1, %dma_wait3A_738, %dma_wait3A_744, %dma_wait3A_745] : memref<16x2x128x128xf32, #tpu.memory_space<vmem_shared>> -> memref<1x1x128x128xf32, #tpu.memory_space<vmem_shared>>
    %dma_wait3A_747 = tpu.memref_squeeze %dma_wait3A_746 : memref<1x1x128x128xf32, #tpu.memory_space<vmem_shared>> -> memref<128x128xf32, #tpu.memory_space<vmem_shared>>
    tpu.wait_dma2 semaphore(%dma_wait3A_741 : memref<!tpu.dma_semaphore, #tpu.memory_space<semaphore_mem>>) src(%dma_wait3A_747 : memref<128x128xf32, #tpu.memory_space<vmem_shared>>) dst(%dma_wait3A_743 : memref<128x128xf32, #tpu.memory_space<hbm>>)
    %dma_wait3A_748 = arith.constant 1 : i32
    %dma_wait3A_749 = arith.constant 1 : i32
    %dma_wait3A_750 = tpu.memref_slice %arg10[%dma_wait3A_749] : memref<2x!tpu.dma_semaphore, #tpu.memory_space<semaphore_mem>> -> memref<1x!tpu.dma_semaphore, #tpu.memory_space<semaphore_mem>>
    %dma_wait3A_751 = tpu.memref_squeeze %dma_wait3A_750 : memref<1x!tpu.dma_semaphore, #tpu.memory_space<semaphore_mem>> -> memref<!tpu.dma_semaphore, #tpu.memory_space<semaphore_mem>>
    %dma_wait3A_752 = arith.constant 0 : i32
    %dma_wait3A_753 = tpu.memref_slice %arg4[%mul3A_2, %dma_wait3A_752] : memref<819200x128xf32, #tpu.memory_space<hbm>> -> memref<128x128xf32, #tpu.memory_space<hbm>>
    %dma_wait3A_754 = arith.constant 0 : i32
    %dma_wait3A_755 = arith.constant 0 : i32
    %dma_wait3A_756 = tpu.memref_slice %arg7[%arg1, %dma_wait3A_748, %dma_wait3A_754, %dma_wait3A_755] : memref<16x2x128x128xf32, #tpu.memory_space<vmem_shared>> -> memref<1x1x128x128xf32, #tpu.memory_space<vmem_shared>>
    %dma_wait3A_757 = tpu.memref_squeeze %dma_wait3A_756 : memref<1x1x128x128xf32, #tpu.memory_space<vmem_shared>> -> memref<128x128xf32, #tpu.memory_space<vmem_shared>>
    tpu.wait_dma2 semaphore(%dma_wait3A_751 : memref<!tpu.dma_semaphore, #tpu.memory_space<semaphore_mem>>) src(%dma_wait3A_757 : memref<128x128xf32, #tpu.memory_space<vmem_shared>>) dst(%dma_wait3A_753 : memref<128x128xf32, #tpu.memory_space<hbm>>)
    return
  }
}

</mosaic_0001>

<sc_bundles>
// kernel: kernel.3.cloned.1.call-start
scs
__scs_entry_jumppad:
0x0: {  	(pc) =	sbr.rel $0x88, $3  }
0x1: {  	(tag) =	ssettag $0x0;
	lr =	simm.s32 $0x1  }
0x2: {  	[smem:$0x3F9F] =	sst lr;
	_ =	strace $0xD0000000  }
0x3: {  	_ = 	snop  }
0x4: {  	_ = 	snop  }
0x5: {  	_ = 	snop  }
0x6: {  	_ = 	snop  }
0x7: {  	_ = 	snop  }
__scs_overlays_trampoline_lowered:
0x8: {  	[smem:$0x3FAE] =	sst s0  }
0x9: {  	[smem:$0x3FAF] =	sst s1  }
0xa: {  	[smem:$0x3FB0] =	sst s2  }
0xb: {  	[smem:$0x3FB1] =	sst s3  }
0xc: {  	[smem:$0x3FB2] =	sst s4  }
0xd: {  	[smem:$0x3FB3] =	sst s5  }
0xe: {  	[smem:$0x3FB4] =	sst s6  }
0xf: {  	[smem:$0x3FB5] =	sst s7  }
0x10: {  	[smem:$0x3FB6] =	sst s8  }
0x11: {  	[smem:$0x3FB7] =	sst s9;
	s0 =	simm.s32 @!p0 $0x0  }
0x12: {  	s1 =	sld [smem:$0x3F9D];
	s0 =	simm.s32 @p0 $0x1  }
0x13: {  	[smem:$0x3FB8] =	sst s0;
	s0 =	simm.s32 @!p1 $0x0  }
0x14: {  	s2 =	sld [smem:$0x3F9C];
	s0 =	simm.s32 @p1 $0x1  }
0x15: {  	[smem:$0x3FB9] =	sst s0;
	s0 =	simm.s32 @!p2 $0x0  }
0x16: {  	s3 =	sld [smem:$0x3FDB];
	s0 =	simm.s32 @p2 $0x1  }
0x17: {  	s4 =	simm.s32 $0x1BF5;
	[smem:$0x3FBB] =	sst s0  }
0x18: {  	s0 =	sld [smem:$0x3F9E];
	_ =	swait.ge [sflag:s4], $0x0  }
0x19: {  	s7 =	sld [smem:$0x3F9F]  }
0x1a: {  	s8 =	sadd.s32 $0xFFFFE003, lr  }
0x1b: {  	s9 =	sadd.s32 $0xFFFFFEF7, lr;
	s5 =	simm.s32 $0xFFFFFFFF;
	p2 =	slt.u32 s8, $0xFFFFF086  }
0x1c: {  	p1 =	slt.u32 s9, $0xF7A;
	s5 =	simm.s32 @!p2 $0x0  }
0x1d: {  	s5 =	simm.s32 @p1 $0x1;
	p0 =	seq.s32 s7, s2  }
0x1e: {  	s7 =	smul.u32 @!p0 $0xF7A, s2;
	p2 =	seq.s32 @!p0 s5, $0x0  }
0x1f: {  	s9 =	smul.u32 $0xF7A, s1;
	s8 =	simm.s32 @!p0 $0x1BF5;
	p2 =	por !p2, p0  }
0x20: {  	[sflag:s8] =	ssyncset.s32 @!p0 $0xFFFFF086;
	s6 =	sadd.s32 @!p0 s3, s7;
	s7 =	simm.s32 @!p0 $0x108  }
0x21: {  	s3 =	sadd.s32 s3, s9;
	s6 =	sadd.s32 @!p0 $0x88, s6;
	s7 =	simm.s32 @p2 $0x1082  }
0x22: {  	[simem:s7], [sflag:s8] =	dma.local @!p0 [hbm:s6], $0xF7A  }
0x23: {  	s9 =	sor.u32 $0xD0000000, s2;
	s6 =	simm.s32 $0x108;
	_ =	swait.ge @!p0 [sflag:s8], $0x0  }
0x24: {  	s3 =	sadd.s32 $0x88, s3;
	s6 =	simm.s32 @!p1 $0x1082;
	[sflag:s4] =	ssyncset.s32 $0xFFFFF086  }
0x25: {  	[simem:s6], [sflag:s4] =	dma.local [hbm:s3], $0xF7A  }
0x26: {  	[smem:$0x3F9F] =	sst s1;
	(tag) =	ssettag s2;
	_ =	strace s9  }
0x27: {  	s1 =	sld [smem:$0x3FAF]  }
0x28: {  	s2 =	sld [smem:$0x3FB0]  }
0x29: {  	s4 =	sld [smem:$0x3FB2]  }
0x2a: {  	p0 =	seq.s32 s5, $0x0;
	s5 =	sld [smem:$0x3FB3]  }
0x2b: {  	s6 =	sld [smem:$0x3FB4]  }
0x2c: {  	s7 =	sld [smem:$0x3FB5]  }
0x2d: {  	s3 =	simm.s32 $0x108;
	s8 =	sld [smem:$0x3FB6]  }
0x2e: {  	s3 =	simm.s32 @!p0 $0x1082;
	s9 =	sld [smem:$0x3FB7]  }
0x2f: {  	lr =	sadd.s32 s0, s3;
	s0 =	sld [smem:$0x3FAE]  }
0x30: {  	s3 =	sld [smem:$0x3FB1]  }
0x31: {  	[smem:$0x3FBA] =	sst s10  }
0x32: {  	s10 =	sld [smem:$0x3FB8];
	_ =	sdelay $0x3  }
0x33: {  	p0 =	seq.s32 s10, $0x1;
	s10 =	sld [smem:$0x3FBA];
	_ =	sdelay $0x3  }
0x34: {  	[smem:$0x3FBA] =	sst s10  }
0x35: {  	s10 =	sld [smem:$0x3FB9];
	_ =	sdelay $0x3  }
0x36: {  	p1 =	seq.s32 s10, $0x1;
	s10 =	sld [smem:$0x3FBA];
	_ =	sdelay $0x3  }
0x37: {  	[smem:$0x3FBA] =	sst s10  }
0x38: {  	s10 =	sld [smem:$0x3FBB]  }
0x39: {  	_ = 	snop;
	(pc) =	sbr.ind lr, $3  }
0x3a: {  	_ = 	snop  }
0x3b: {  	_ = 	snop  }
0x3c: {  	p2 =	seq.s32 s10, $0x1;
	s10 =	sld [smem:$0x3FBA]  }
0x3d: {  	_ =	shalt  }
0x3e: {  	_ =	shalt  }
0x3f: {  	_ =	shalt  }
0x40: {  	_ =	shalt  }
0x41: {  	_ =	shalt  }
0x42: {  	_ =	shalt  }
0x43: {  	_ =	shalt  }
0x44: {  	_ =	shalt  }
0x45: {  	_ =	shalt  }
0x46: {  	_ =	shalt  }
0x47: {  	_ =	shalt  }
0x48: {  	_ =	shalt  }
0x49: {  	_ =	shalt  }
0x4a: {  	_ =	shalt  }
0x4b: {  	_ =	shalt  }
0x4c: {  	_ =	shalt  }
0x4d: {  	_ =	shalt  }
0x4e: {  	_ =	shalt  }
0x4f: {  	_ =	shalt  }
0x50: {  	_ =	shalt  }
0x51: {  	_ =	shalt  }
0x52: {  	_ =	shalt  }
0x53: {  	_ =	shalt  }
0x54: {  	_ =	shalt  }
0x55: {  	_ =	shalt  }
0x56: {  	_ =	shalt  }
0x57: {  	_ =	shalt  }
0x58: {  	_ =	shalt  }
0x59: {  	_ =	shalt  }
0x5a: {  	_ =	shalt  }
0x5b: {  	_ =	shalt  }
0x5c: {  	_ =	shalt  }
0x5d: {  	_ =	shalt  }
0x5e: {  	_ =	shalt  }
0x5f: {  	_ =	shalt  }
0x60: {  	_ =	shalt  }
0x61: {  	_ =	shalt  }
0x62: {  	_ =	shalt  }
0x63: {  	_ =	shalt  }
0x64: {  	_ =	shalt  }
0x65: {  	_ =	shalt  }
0x66: {  	_ =	shalt  }
0x67: {  	_ =	shalt  }
0x68: {  	_ =	shalt  }
0x69: {  	_ =	shalt  }
0x6a: {  	_ =	shalt  }
0x6b: {  	_ =	shalt  }
0x6c: {  	_ =	shalt  }
0x6d: {  	_ =	shalt  }
0x6e: {  	_ =	shalt  }
0x6f: {  	_ =	shalt  }
0x70: {  	_ =	shalt  }
0x71: {  	_ =	shalt  }
0x72: {  	_ =	shalt  }
0x73: {  	_ =	shalt  }
0x74: {  	_ =	shalt  }
0x75: {  	_ =	shalt  }
0x76: {  	_ =	shalt  }
0x77: {  	_ =	shalt  }
0x78: {  	_ =	shalt  }
0x79: {  	_ =	shalt  }
0x7a: {  	_ =	shalt  }
0x7b: {  	_ =	shalt  }
0x7c: {  	_ =	shalt  }
0x7d: {  	_ =	shalt  }
0x7e: {  	_ =	shalt  }
0x7f: {  	_ =	shalt  }
0x80: {  	_ =	shalt  }
0x81: {  	_ =	shalt  }
0x82: {  	_ =	shalt  }
0x83: {  	_ =	shalt  }
0x84: {  	_ =	shalt  }
0x85: {  	_ =	shalt  }
0x86: {  	_ =	shalt  }
0x87: {  	_ =	shalt  }
.Lfunc_end0:
.L_simem_size_0:
called_computation_lowered:
.L_overlay_start_0:
0x88: {  	s2 =	sld [smem:$0x3FD9]  }
0x89: {  	s3 =	sld [smem:$0x3FFE];
	_ =	sdelay $0x1  }
0x8a: {  	s1 =	srdreg.scid  }
0x8b: {  	s0 =	sand.u32 $0x1, s1  }
0x8c: {  	s17 =	sshll.u32 s0, $0xA;
	s2 =	sadd.s32 s3, s2  }
0x8d: {  	s2 =	sadd.s32 s2, s17  }
0x8e: {  	[smem:$0x3FC6] =	sst s2  }
0x8f: {  	_ = 	snop  }
0x90: {  	s2 =	sld [smem:$0x3FC8]  }
0x91: {  	s18 =	sld [smem:$0x3FD0];
	(tm) =	ssettm $0x1  }
0x92: {  	s4 =	sld [smem:$0x3FFB];
	_ =	sdelay $0x3  }
0x93: {  	_ =	strace s4  }
0x94: {  	s4 =	sld [smem:$0x3FFC];
	_ =	sdelay $0x3  }
0x95: {  	_ =	strace s4  }
0x96: {  	s4 =	sld [smem:$0x3FFD];
	_ =	sdelay $0x3  }
0x97: {  	_ =	strace s4  }
0x98: {  	_ =	strace $0x8FFFFFFF  }
0x99: {  	s19 =	sld [smem:$0x3FDB];
	_ =	sdelay $0x1  }
0x9a: {  	s5 =	simm.s32 $_scs_section_size  }
0x9b: {  	s6 =	simm.s32 $_size__tile_overlayer_lowered;
	s7 =	simm.s32 $_tile_overlayer_lowered  }
0x9c: {  	s22 =	simm.s32 $0x1BFF;
	s21 =	sshll.u32 s7, $0x1;
	s4 =	sadd.s32 s5, s19  }
0x9d: {  	s8 =	simm.s32 $0x0;
	s20 =	sshll.u32 s6, $0x1;
	s6 =	sadd.s32 s21, s4  }
0x9e: {  	[timem:s8], [sflag:s22] =	dma.local [hbm:s6], s20  }
0x9f: {  	_ =	swait.ge [sflag:s22], s20  }
0xa0: {  	s5 =	ssub.s32 $0x0, s20;
	[sflag:s22] =	ssyncset.done $0x0  }
0xa1: {  	[sflag:s22] =	ssyncadd.s32 s5;
	_ =	sdelay $0x1  }
0xa2: {  	s23 =	simm.s32 $0x1B8B  }
0xa3: {  	_ =	swait.ge [sflag:s23], $0x1  }
0xa4: {  	[sflag:s23] =	ssyncset.done $0x0  }
0xa5: {  	s25 =	simm.s32 $0x1B8E;
	s24 =	sld [smem:$0x3FFE];
	[sflag:s23] =	ssyncadd.s32 $0xFFFFFFFF  }
0xa6: {  	s26 =	simm.s32 $execute0_lowered;
	[smem:$0x3FD2] =	sst s25  }
0xa7: {  	s6 =	sshll.u32 s26, $0x1;
	_ =	strace $0x80000046;
	[dreg:$0x1] =	wrdreg $0xFFFFFFFF  }
0xa8: {  	s28 =	simm.s32 $_size_execute0_lowered;
	s4 =	sadd.s32 s4, s6;
	[dreg:$0x0] =	wrdreg $0x0  }
0xa9: {  	s6 =	sshll.u32 s28, $0x1;
	[dreg:$0x2] =	wrdreg s4  }
0xaa: {  	[dreg:$0x3] =	wrdreg s6  }
0xab: {  	[dreg:$0x4] =	wrdreg $0xC0  }
0xac: {  	_ =	task [dreg:s8], $0x5FFFF  }
0xad: {  	[dreg:$0x1] =	wrdreg $0xFFFFFFFF  }
0xae: {  	[dreg:$0x0] =	wrdreg $0x60  }
0xaf: {  	[dreg:$0x2] =	wrdreg s24  }
0xb0: {  	[dreg:$0x3] =	wrdreg s2  }
0xb1: {  	[dreg:$0x4] =	wrdreg s18  }
0xb2: {  	[dreg:$0x5] =	wrdreg $0x164000  }
0xb3: {  	[dreg:$0x6] =	wrdreg $0x9  }
0xb4: {  	_ =	task.clear_ibuf [dreg:s8], $0x7FFFF;
	_ =	strace $0x90000046  }
0xb5: {  	s29 =	simm.s32 $0x9;
	_ =	strace $0x80000048  }
0xb6: {  	_ =	swait.ge [sflag:s29], $0x1  }
0xb7: {  	[sflag:s29] =	ssyncadd.s32 $0xFFFFFFFF  }
0xb8: {  	_ =	strace $0x90000048  }
0xb9: {  	_ =	sfence  }
0xba: {  	s30 =	sld [smem:$0x0];
	_ =	sdelay $0x2  }
0xbb: {  	s31 =	sshll.u32 s1, $0xD;
	s1 =	sshrl.u32 s1, $0x2  }
0xbc: {  	s3 =	sand.u32 $0x4000, s31;
	s1 =	sadd.s32 s1, s30  }
0xbd: {  	s0 =	sor.u32 s3, s0;
	s1 =	sshll.u32 s1, $0x11  }
0xbe: {  	s0 =	sor.u32 s1, s0  }
0xbf: {  	s0 =	sadd.s32 $0x8F2B, s0  }
0xc0: {  	[sflag:s0] =	ssyncadd.remote.s32 $0x1  }
0xc1: {  	_ =	sfence.sel $0xFFFF  }
0xc2: {  	[dreg:$0x0] =	wrdreg $0xFFFFFFFF;
	(pc) =	sbr.abs _section_cstart, $3  }
0xc3: {  	[dreg:$0x1] =	wrdreg $0xFFFFFFFF  }
0xc4: {  	_ =	task.clear_ibuf [dreg:s8], $0x2FFFF;
	_ =	strace $0x9FFFFFFF  }
0xc5: {  	(tm) =	ssettm $0x7FFFFFFF  }
tec
execute0_lowered:
.L_overlay_start_1:
0x0: {  	(tag) =	ssettag $0x1  }
0x1: {  	s0 =	rddreg [dreg:$0x0]  }
0x2: {  	s1 =	rddreg [dreg:$0x1]  }
0x3: {  	s2 =	srdreg.scid;
	s5 =	rddreg [dreg:$0x2]  }
0x4: {  	s11 =	stileid.u32;
	s4 =	rddreg [dreg:$0x3]  }
0x5: {  	s7 =	simm.s32 $0x0;
	s28 =	simm.s32 $0x5;
	s30 =	simm.s32 $0x3  }
0x6: {  	s31 =	simm.s32 $0x7;
	s29 =	simm.s32 $0x0;
	s2 =	sand.u32 $0x1, s2  }
0x7: {  	s3 =	sshll.u32 s11, $0x1;
	[smem:$0x7FF] =	sst s7;
	s21 =	smul.u32 $0xC8000, s11  }
0x8: {  	s3 =	sor.u32 s2, s3;
	s17 =	ssub.s32 $0x2, s2;
	s2 =	smul.u32 $0x64000, s2  }
0x9: {  	s8 =	sshll.u32 s11, $0xF;
	_ =	strace $0x80000047;
	s6 =	smul.u32 $0x6400, s3  }
0xa: {  	s4 =	sadd.s32 s8, s4;
	s18 =	sshrl.u32 s17, $0x1;
	s9 =	smul.u32 $0x64000, s3  }
0xb: {  	s3 =	smul.u32 $0x320000, s3;
	s10 =	ssub.s32 s17, s18;
	s17 =	simm.s32 $0x9  }
0xc: {  	s18 =	simm.s32 $0x80;
	s6 =	sshrl.u32 s6, $0x3;
	s7 =	sadd.s32 s5, s9  }
0xd: {  	s20 =	sshrl.u32 s3, $0x3;
	s3 =	sadd.s32 s21, s5;
	s15 =	smax.u32 s10, $0x1  }
0xe: {  	s21 =	simm.s32 $0x4;
	s0 =	sadd.s32 s6, s0;
	s19 =	sadd.s32 $0x800, s7  }
0xf: {  	s6 =	sadd.s32 $0x4000, s4;
	s0 =	sadd.s32 $0x400, s0;
	[dreg:$0x6] =	wrdreg s19  }
0x10: {  	s22 =	sadd.s32 $0x1000, s7;
	[dreg:$0x5] =	wrdreg s0;
	s0 =	sadd.s32 s5, s20  }
0x11: {  	s2 =	sadd.s32 s2, s3;
	[dreg:$0x7] =	wrdreg s22;
	s23 =	sadd.s32 $0x61800, s0  }
0x12: {  	s11 =	sadd.s32 $0x3000, s2;
	s24 =	sadd.s32 $0x62000, s0;
	[dreg:$0x8] =	wrdreg s23  }
0x13: {  	s19 =	simm.s32 $0x6400;
	s25 =	sadd.s32 $0x62800, s0;
	[dreg:$0x9] =	wrdreg s24  }
0x14: {  	s22 =	simm.s32 $0xE400;
	s26 =	sadd.s32 $0x63000, s0;
	[dreg:$0xa] =	wrdreg s25  }
0x15: {  	s2 =	simm.s32 $0x6;
	s0 =	sadd.s32 $0x63800, s0;
	[dreg:$0xb] =	wrdreg s26  }
0x16: {  	s20 =	simm.s32 $0xA400;
	[dreg:$0xc] =	wrdreg s0;
	s23 =	simm.s32 $0x1  }
0x17: {  	s25 =	simm.s32 $0x12400;
	s26 =	simm.s32 $0x2;
	s24 =	simm.s32 $0x8  }
.LBB2_1:
0x18: {  	s0 =	simm.s32 $0x0;
	s3 =	rddreg [dreg:$0x5]  }
0x19: {  	[tilespmem:s0], [sflag:$0x9] =	stream.linear.gather [hbm4b:s3+s0], $0x6400, $0x38;
	[tilespmem:$0x1E400] =	vst v63  }
0x1a: {  	_ =	swait.ge [sflag:s17], $0x6400  }
0x1b: {  	[sflag:s17] =	ssyncset.done $0x0  }
0x1c: {  	[sflag:s17] =	ssyncadd.s32 $0xFFFF9C00  }
0x1d: {  	[tilespmem:s19], [sflag:$0x1] =	stream.indirect.gather [hbm4b:s1+s18], $0x80, s0, s18, $0xb8;
	[tilespmem:$0x1E400] =	vst v63  }
0x1e: {  	_ = 	snop  }
0x1f: {  	[tilespmem:s20], [sflag:$0x2] =	stream.indirect.gather [hbm4b:s1+s18], $0x80, s18, s18, $0xb8;
	[tilespmem:$0x1E400] =	vst v63  }
0x20: {  	s9 =	simm.s32 $0x100  }
0x21: {  	[tilespmem:s22], [sflag:$0x3] =	stream.indirect.gather [hbm4b:s1+s18], $0x80, s9, s18, $0xb8;
	[tilespmem:$0x1E400] =	vst v63  }
0x22: {  	_ =	swait.ge [sflag:s23], $0x4000  }
0x23: {  	[sflag:s23] =	ssyncset.done $0x0  }
0x24: {  	[sflag:s23] =	ssyncadd.s32 $0xFFFFC000  }
0x25: {  	[spmem:s4] =	stream.linear.scatter [tilespmem:s19], [sflag:$0x5], $0x4000, $0x38;
	[tilespmem:$0x1E400] =	vst v63  }
0x26: {  	s10 =	simm.s32 $0x180  }
0x27: {  	[tilespmem:s25], [sflag:$0x4] =	stream.indirect.gather [hbm4b:s1+s18], $0x80, s10, s18, $0xb8;
	[tilespmem:$0x1E400] =	vst v63  }
0x28: {  	_ =	swait.ge [sflag:s26], $0x4000  }
0x29: {  	[sflag:s26] =	ssyncset.done $0x0  }
0x2a: {  	[sflag:s26] =	ssyncadd.s32 $0xFFFFC000  }
0x2b: {  	[spmem:s6] =	stream.linear.scatter [tilespmem:s20], [sflag:$0x6], $0x4000, $0x38;
	[tilespmem:$0x1E400] =	vst v63  }
0x2c: {  	s12 =	stileid.u32;
	_ =	swait.ge [sflag:s28], $0x4000  }
0x2d: {  	s8 =	simm.s32 $0x200;
	s5 =	sshll.u32 s12, $0x6;
	[sflag:s28] =	ssyncset.done $0x0  }
0x2e: {  	s3 =	sshrl.u32 s4, $0x3;
	s0 =	sor.u32 $0x1C07, s5;
	[sflag:s28] =	ssyncadd.s32 $0xFFFFC000  }
0x2f: {  	[hbm:s7], [sflag:s0] =	dma.local [spmem:s3], $0x800  }
0x30: {  	[tilespmem:s19], [sflag:$0x1] =	stream.indirect.gather [hbm4b:s1+s18], $0x80, s8, s18, $0xb8;
	[tilespmem:$0x1E400] =	vst v63  }
0x31: {  	_ =	swait.ge [sflag:s30], $0x4000  }
0x32: {  	[sflag:s30] =	ssyncset.done $0x0  }
0x33: {  	[sflag:s30] =	ssyncadd.s32 $0xFFFFC000  }
0x34: {  	_ =	swait.ge [sflag:s31], $0x800  }
0x35: {  	[sflag:s31] =	ssyncset.done $0x0  }
0x36: {  	[sflag:s31] =	ssyncadd.s32 $0xFFFFF800  }
0x37: {  	[spmem:s4] =	stream.linear.scatter [tilespmem:s22], [sflag:$0x5], $0x4000, $0x38;
	[tilespmem:$0x1E400] =	vst v63  }
0x38: {  	_ =	swait.ge [sflag:s2], $0x4000  }
0x39: {  	s13 =	simm.s32 $0x280;
	s5 =	sor.u32 $0x1C08, s5;
	[sflag:s2] =	ssyncset.done $0x0  }
0x3a: {  	s8 =	sshrl.u32 s6, $0x3;
	s9 =	rddreg [dreg:$0x6];
	[sflag:s2] =	ssyncadd.s32 $0xFFFFC000  }
0x3b: {  	[hbm:s9], [sflag:s5] =	dma.local [spmem:s8], $0x800  }
0x3c: {  	[tilespmem:s20], [sflag:$0x2] =	stream.indirect.gather [hbm4b:s1+s18], $0x80, s13, s18, $0xb8;
	[tilespmem:$0x1E400] =	vst v63  }
0x3d: {  	_ =	swait.ge [sflag:s21], $0x4000  }
0x3e: {  	[sflag:s21] =	ssyncset.done $0x0  }
0x3f: {  	[sflag:s21] =	ssyncadd.s32 $0xFFFFC000  }
0x40: {  	_ =	swait.ge [sflag:s24], $0x800  }
0x41: {  	[sflag:s24] =	ssyncset.done $0x0  }
0x42: {  	[sflag:s24] =	ssyncadd.s32 $0xFFFFF800  }
0x43: {  	[spmem:s6] =	stream.linear.scatter [tilespmem:s25], [sflag:$0x6], $0x4000, $0x38;
	[tilespmem:$0x1E400] =	vst v63  }
0x44: {  	_ =	swait.ge [sflag:s28], $0x4000  }
0x45: {  	[sflag:s28] =	ssyncset.done $0x0  }
0x46: {  	s16 =	simm.s32 $0x300;
	s14 =	rddreg [dreg:$0x7];
	[sflag:s28] =	ssyncadd.s32 $0xFFFFC000  }
0x47: {  	[hbm:s14], [sflag:s0] =	dma.local [spmem:s3], $0x800  }
0x48: {  	[tilespmem:s22], [sflag:$0x3] =	stream.indirect.gather [hbm4b:s1+s18], $0x80, s16, s18, $0xb8;
	[tilespmem:$0x1E400] =	vst v63  }
0x49: {  	_ =	swait.ge [sflag:s23], $0x4000  }
0x4a: {  	[sflag:s23] =	ssyncset.done $0x0  }
0x4b: {  	[sflag:s23] =	ssyncadd.s32 $0xFFFFC000  }
0x4c: {  	_ =	swait.ge [sflag:s31], $0x800  }
0x4d: {  	[sflag:s31] =	ssyncset.done $0x0  }
0x4e: {  	[sflag:s31] =	ssyncadd.s32 $0xFFFFF800  }
0x4f: {  	[spmem:s4] =	stream.linear.scatter [tilespmem:s19], [sflag:$0x5], $0x4000, $0x38;
	[tilespmem:$0x1E400] =	vst v63  }
0x50: {  	_ =	swait.ge [sflag:s2], $0x4000  }
0x51: {  	[sflag:s2] =	ssyncset.done $0x0  }
0x52: {  	s12 =	simm.s32 $0x380;
	s10 =	sadd.s32 $0xFFFFE800, s11;
	[sflag:s2] =	ssyncadd.s32 $0xFFFFC000  }
0x53: {  	[hbm:s10], [sflag:s5] =	dma.local [spmem:s8], $0x800  }
0x54: {  	[tilespmem:s25], [sflag:$0x4] =	stream.indirect.gather [hbm4b:s1+s18], $0x80, s12, s18, $0xb8;
	[tilespmem:$0x1E400] =	vst v63  }
0x55: {  	_ =	swait.ge [sflag:s26], $0x4000  }
0x56: {  	[sflag:s26] =	ssyncset.done $0x0  }
0x57: {  	[sflag:s26] =	ssyncadd.s32 $0xFFFFC000  }
0x58: {  	_ =	swait.ge [sflag:s24], $0x800  }
0x59: {  	[sflag:s24] =	ssyncset.done $0x0  }
0x5a: {  	[sflag:s24] =	ssyncadd.s32 $0xFFFFF800  }
0x5b: {  	[spmem:s6] =	stream.linear.scatter [tilespmem:s20], [sflag:$0x6], $0x4000, $0x38;
	[tilespmem:$0x1E400] =	vst v63  }
0x5c: {  	_ =	swait.ge [sflag:s28], $0x4000  }
0x5d: {  	[sflag:s28] =	ssyncset.done $0x0  }
0x5e: {  	s13 =	sadd.s32 $0xFFFFF000, s11;
	s10 =	simm.s32 $0x400;
	[sflag:s28] =	ssyncadd.s32 $0xFFFFC000  }
0x5f: {  	[hbm:s13], [sflag:s0] =	dma.local [spmem:s3], $0x800  }
0x60: {  	[tilespmem:s19], [sflag:$0x1] =	stream.indirect.gather [hbm4b:s1+s18], $0x80, s10, s18, $0xb8;
	[tilespmem:$0x1E400] =	vst v63  }
0x61: {  	_ =	swait.ge [sflag:s30], $0x4000  }
0x62: {  	[sflag:s30] =	ssyncset.done $0x0  }
0x63: {  	[sflag:s30] =	ssyncadd.s32 $0xFFFFC000  }
0x64: {  	_ =	swait.ge [sflag:s31], $0x800  }
0x65: {  	[sflag:s31] =	ssyncset.done $0x0  }
0x66: {  	[sflag:s31] =	ssyncadd.s32 $0xFFFFF800  }
0x67: {  	[spmem:s4] =	stream.linear.scatter [tilespmem:s22], [sflag:$0x5], $0x4000, $0x38;
	[tilespmem:$0x1E400] =	vst v63  }
0x68: {  	_ =	swait.ge [sflag:s2], $0x4000  }
0x69: {  	[sflag:s2] =	ssyncset.done $0x0  }
0x6a: {  	s14 =	sadd.s32 $0xFFFFF800, s11;
	s16 =	simm.s32 $0x480;
	[sflag:s2] =	ssyncadd.s32 $0xFFFFC000  }
0x6b: {  	[hbm:s14], [sflag:s5] =	dma.local [spmem:s8], $0x800  }
0x6c: {  	[tilespmem:s20], [sflag:$0x2] =	stream.indirect.gather [hbm4b:s1+s18], $0x80, s16, s18, $0xb8;
	[tilespmem:$0x1E400] =	vst v63  }
0x6d: {  	_ =	swait.ge [sflag:s21], $0x4000  }
0x6e: {  	[sflag:s21] =	ssyncset.done $0x0  }
0x6f: {  	[sflag:s21] =	ssyncadd.s32 $0xFFFFC000  }
0x70: {  	_ =	swait.ge [sflag:s24], $0x800  }
0x71: {  	[sflag:s24] =	ssyncset.done $0x0  }
0x72: {  	[sflag:s24] =	ssyncadd.s32 $0xFFFFF800  }
0x73: {  	[spmem:s6] =	stream.linear.scatter [tilespmem:s25], [sflag:$0x6], $0x4000, $0x38;
	[tilespmem:$0x1E400] =	vst v63  }
0x74: {  	_ =	swait.ge [sflag:s28], $0x4000  }
0x75: {  	s9 =	simm.s32 $0x800;
	s12 =	simm.s32 $0x500;
	[sflag:s28] =	ssyncset.done $0x0  }
0x76: {  	s10 =	sadd.s32 $0x2000, s11;
	s16 =	smov.u32 s11;
	[sflag:s28] =	ssyncadd.s32 $0xFFFFC000  }
.LBB2_2:
0x77: {  	[hbm:s16], [sflag:s0] =	dma.local [spmem:s3], $0x800  }
0x78: {  	s13 =	smov.u32 s9;
	s16 =	smov.u32 s10  }
0x79: {  	[tilespmem:s22], [sflag:$0x3] =	stream.indirect.gather [hbm4b:s1+s18], $0x80, s12, s18, $0xb8;
	[tilespmem:$0x1E400] =	vst v63  }
0x7a: {  	p0 =	sne.s32 s9, $0x17800;
	s9 =	sadd.s32 $0x800, s9;
	_ =	swait.ge [sflag:s23], $0x4000  }
0x7b: {  	[sflag:s23] =	ssyncset.done $0x0  }
0x7c: {  	[sflag:s23] =	ssyncadd.s32 $0xFFFFC000  }
0x7d: {  	_ =	swait.ge [sflag:s31], $0x800  }
0x7e: {  	[sflag:s31] =	ssyncset.done $0x0  }
0x7f: {  	[sflag:s31] =	ssyncadd.s32 $0xFFFFF800  }
0x80: {  	[spmem:s4] =	stream.linear.scatter [tilespmem:s19], [sflag:$0x5], $0x4000, $0x38;
	[tilespmem:$0x1E400] =	vst v63  }
0x81: {  	_ =	swait.ge [sflag:s2], $0x4000  }
0x82: {  	[sflag:s2] =	ssyncset.done $0x0  }
0x83: {  	s14 =	sadd.s32 $0xFFFFE800, s10;
	s12 =	sshra.s32 s13, $0x2;
	[sflag:s2] =	ssyncadd.s32 $0xFFFFC000  }
0x84: {  	[hbm:s14], [sflag:s5] =	dma.local [spmem:s8], $0x800  }
0x85: {  	s13 =	sadd.s32 $0x380, s12  }
0x86: {  	[tilespmem:s25], [sflag:$0x4] =	stream.indirect.gather [hbm4b:s1+s18], $0x80, s13, s18, $0xb8;
	[tilespmem:$0x1E400] =	vst v63  }
0x87: {  	_ =	swait.ge [sflag:s26], $0x4000  }
0x88: {  	[sflag:s26] =	ssyncset.done $0x0  }
0x89: {  	[sflag:s26] =	ssyncadd.s32 $0xFFFFC000  }
0x8a: {  	_ =	swait.ge [sflag:s24], $0x800  }
0x8b: {  	[sflag:s24] =	ssyncset.done $0x0  }
0x8c: {  	[sflag:s24] =	ssyncadd.s32 $0xFFFFF800  }
0x8d: {  	[spmem:s6] =	stream.linear.scatter [tilespmem:s20], [sflag:$0x6], $0x4000, $0x38;
	[tilespmem:$0x1E400] =	vst v63  }
0x8e: {  	_ =	swait.ge [sflag:s28], $0x4000  }
0x8f: {  	s13 =	sadd.s32 $0xFFFFF000, s10;
	[sflag:s28] =	ssyncset.done $0x0  }
0x90: {  	s14 =	sadd.s32 $0x400, s12;
	[sflag:s28] =	ssyncadd.s32 $0xFFFFC000  }
0x91: {  	[hbm:s13], [sflag:s0] =	dma.local [spmem:s3], $0x800  }
0x92: {  	[tilespmem:s19], [sflag:$0x1] =	stream.indirect.gather [hbm4b:s1+s18], $0x80, s14, s18, $0xb8;
	[tilespmem:$0x1E400] =	vst v63  }
0x93: {  	_ =	swait.ge [sflag:s30], $0x4000  }
0x94: {  	[sflag:s30] =	ssyncset.done $0x0  }
0x95: {  	[sflag:s30] =	ssyncadd.s32 $0xFFFFC000  }
0x96: {  	_ =	swait.ge [sflag:s31], $0x800  }
0x97: {  	[sflag:s31] =	ssyncset.done $0x0  }
0x98: {  	[sflag:s31] =	ssyncadd.s32 $0xFFFFF800  }
0x99: {  	[spmem:s4] =	stream.linear.scatter [tilespmem:s22], [sflag:$0x5], $0x4000, $0x38;
	[tilespmem:$0x1E400] =	vst v63  }
0x9a: {  	_ =	swait.ge [sflag:s2], $0x4000  }
0x9b: {  	s13 =	sadd.s32 $0xFFFFF800, s10;
	[sflag:s2] =	ssyncset.done $0x0  }
0x9c: {  	s14 =	sadd.s32 $0x480, s12;
	[sflag:s2] =	ssyncadd.s32 $0xFFFFC000  }
0x9d: {  	[hbm:s13], [sflag:s5] =	dma.local [spmem:s8], $0x800  }
0x9e: {  	[tilespmem:s20], [sflag:$0x2] =	stream.indirect.gather [hbm4b:s1+s18], $0x80, s14, s18, $0xb8;
	[tilespmem:$0x1E400] =	vst v63  }
0x9f: {  	_ =	swait.ge [sflag:s21], $0x4000  }
0xa0: {  	[sflag:s21] =	ssyncset.done $0x0  }
0xa1: {  	[sflag:s21] =	ssyncadd.s32 $0xFFFFC000  }
0xa2: {  	_ =	swait.ge [sflag:s24], $0x800  }
0xa3: {  	[sflag:s24] =	ssyncset.done $0x0  }
.Ltmp0:
0xa4: {  	[sflag:s24] =	ssyncadd.s32 $0xFFFFF800;
	(pc) =	sbr.rel @p0 .LBB2_2-.Ltmp0, $4  }
0xa5: {  	[spmem:s6] =	stream.linear.scatter [tilespmem:s25], [sflag:$0x6], $0x4000, $0x38;
	[tilespmem:$0x1E400] =	vst v63  }
0xa6: {  	_ =	swait.ge [sflag:s28], $0x4000  }
0xa7: {  	[sflag:s28] =	ssyncset.done $0x0  }
0xa8: {  	s10 =	sadd.s32 $0x2000, s10;
	s12 =	sadd.s32 $0x500, s12;
	[sflag:s28] =	ssyncadd.s32 $0xFFFFC000  }
0xa9: {  	[hbm:s16], [sflag:s0] =	dma.local [spmem:s3], $0x800  }
0xaa: {  	[tilespmem:s22], [sflag:$0x3] =	stream.indirect.gather [hbm4b:s1+s18], $0x80, s12, s18, $0xb8;
	[tilespmem:$0x1E400] =	vst v63  }
0xab: {  	_ =	swait.ge [sflag:s23], $0x4000  }
0xac: {  	[sflag:s23] =	ssyncset.done $0x0  }
0xad: {  	[sflag:s23] =	ssyncadd.s32 $0xFFFFC000  }
0xae: {  	_ =	swait.ge [sflag:s31], $0x800  }
0xaf: {  	[sflag:s31] =	ssyncset.done $0x0  }
0xb0: {  	[sflag:s31] =	ssyncadd.s32 $0xFFFFF800  }
0xb1: {  	[spmem:s4] =	stream.linear.scatter [tilespmem:s19], [sflag:$0x5], $0x4000, $0x38;
	[tilespmem:$0x1E400] =	vst v63  }
0xb2: {  	_ =	swait.ge [sflag:s2], $0x4000  }
0xb3: {  	[sflag:s2] =	ssyncset.done $0x0  }
0xb4: {  	s10 =	simm.s32 $0x6380;
	s9 =	rddreg [dreg:$0x8];
	[sflag:s2] =	ssyncadd.s32 $0xFFFFC000  }
0xb5: {  	[hbm:s9], [sflag:s5] =	dma.local [spmem:s8], $0x800  }
0xb6: {  	[tilespmem:s25], [sflag:$0x4] =	stream.indirect.gather [hbm4b:s1+s18], $0x80, s10, s18, $0xb8;
	[tilespmem:$0x1E400] =	vst v63  }
0xb7: {  	_ =	swait.ge [sflag:s26], $0x4000  }
0xb8: {  	[sflag:s26] =	ssyncset.done $0x0  }
0xb9: {  	[sflag:s26] =	ssyncadd.s32 $0xFFFFC000  }
0xba: {  	_ =	swait.ge [sflag:s24], $0x800  }
0xbb: {  	[sflag:s24] =	ssyncset.done $0x0  }
0xbc: {  	[sflag:s24] =	ssyncadd.s32 $0xFFFFF800  }
0xbd: {  	[spmem:s6] =	stream.linear.scatter [tilespmem:s20], [sflag:$0x6], $0x4000, $0x38;
	[tilespmem:$0x1E400] =	vst v63  }
0xbe: {  	_ =	swait.ge [sflag:s28], $0x4000  }
0xbf: {  	[sflag:s28] =	ssyncset.done $0x0  }
0xc0: {  	s12 =	rddreg [dreg:$0x9];
	[sflag:s28] =	ssyncadd.s32 $0xFFFFC000  }
0xc1: {  	[hbm:s12], [sflag:s0] =	dma.local [spmem:s3], $0x800  }
0xc2: {  	_ =	swait.ge [sflag:s30], $0x4000  }
0xc3: {  	[sflag:s30] =	ssyncset.done $0x0  }
0xc4: {  	[sflag:s30] =	ssyncadd.s32 $0xFFFFC000  }
0xc5: {  	_ =	swait.ge [sflag:s31], $0x800  }
0xc6: {  	[sflag:s31] =	ssyncset.done $0x0  }
0xc7: {  	[sflag:s31] =	ssyncadd.s32 $0xFFFFF800  }
0xc8: {  	[spmem:s4] =	stream.linear.scatter [tilespmem:s22], [sflag:$0x5], $0x4000, $0x38;
	[tilespmem:$0x1E400] =	vst v63  }
0xc9: {  	_ =	swait.ge [sflag:s2], $0x4000  }
0xca: {  	[sflag:s2] =	ssyncset.done $0x0  }
0xcb: {  	s13 =	rddreg [dreg:$0xa];
	[sflag:s2] =	ssyncadd.s32 $0xFFFFC000  }
0xcc: {  	[hbm:s13], [sflag:s5] =	dma.local [spmem:s8], $0x800  }
0xcd: {  	_ =	swait.ge [sflag:s21], $0x4000  }
0xce: {  	[sflag:s21] =	ssyncset.done $0x0  }
0xcf: {  	[sflag:s21] =	ssyncadd.s32 $0xFFFFC000  }
0xd0: {  	_ =	swait.ge [sflag:s24], $0x800  }
0xd1: {  	[sflag:s24] =	ssyncset.done $0x0  }
0xd2: {  	[sflag:s24] =	ssyncadd.s32 $0xFFFFF800  }
0xd3: {  	[spmem:s6] =	stream.linear.scatter [tilespmem:s25], [sflag:$0x6], $0x4000, $0x38;
	[tilespmem:$0x1E400] =	vst v63  }
0xd4: {  	_ =	swait.ge [sflag:s28], $0x4000  }
0xd5: {  	[sflag:s28] =	ssyncset.done $0x0  }
0xd6: {  	s14 =	rddreg [dreg:$0xb];
	[sflag:s28] =	ssyncadd.s32 $0xFFFFC000  }
0xd7: {  	[hbm:s14], [sflag:s0] =	dma.local [spmem:s3], $0x800  }
0xd8: {  	_ =	swait.ge [sflag:s2], $0x4000  }
0xd9: {  	[sflag:s2] =	ssyncset.done $0x0  }
0xda: {  	s29 =	sadd.s32 $0x1, s29;
	s16 =	rddreg [dreg:$0xc];
	[sflag:s2] =	ssyncadd.s32 $0xFFFFC000  }
0xdb: {  	[hbm:s16], [sflag:s5] =	dma.local [spmem:s8], $0x800  }
0xdc: {  	p0 =	sne.s32 s29, s15;
	_ =	swait.ge [sflag:s31], $0x800  }
.Ltmp1:
0xdd: {  	[sflag:s31] =	ssyncset.done $0x0;
	(pc) =	sbr.rel @p0 .LBB2_1-.Ltmp1, $4  }
0xde: {  	[sflag:s31] =	ssyncadd.s32 $0xFFFFF800  }
0xdf: {  	_ =	swait.ge [sflag:s24], $0x800  }
0xe0: {  	[sflag:s24] =	ssyncset.done $0x0  }
0xe1: {  	[sflag:s24] =	ssyncadd.s32 $0xFFFFF800  }
0xe2: {  	_ =	sfence.sel $0x180000  }
0xe3: {  	[bflag:$0x0] =	sbarrier.arrive $0xFFFF  }
0xe4: {  	_ =	strace $0x90000047  }
0xe5: {  	s0 =	stileid.u32;
	[bflag:$0x2] =	sbarrier.arrive $0xFFFF  }
0xe6: {  	p0 =	sne.s32 s0, $0x0;
	s0 =	rddreg [dreg:$0x4]  }
0xe7: {  	s0 =	sadd.s32 @!p0 $0x100000, s0  }
0xe8: {  	[sflag:s0] =	ssyncadd.tile.s32 @!p0 $0x1;
	_ =	shalt  }
.Lfunc_end2:
_tile_overlayer_lowered:
.L_overlay_start_2:
0xe9: {  	(tag) =	ssettag $0x2  }
0xea: {  	s0 =	rddreg [dreg:$0x0];
	s2 =	stileid.u32  }
0xeb: {  	s1 =	rddreg [dreg:$0x1];
	p0 =	sne.s32 s2, $0x0  }
0xec: {  	s3 =	rddreg [dreg:$0x2];
	[bflag:$0x3] =	sbarrier.arrive $0xFFFF;
	s2 =	simm.s32 @!p0 $0x1C09  }
0xed: {  	[timem:s3], [sflag:s2] =	dma.local @!p0 [hbm:s0], s1  }
0xee: {  	s0 =	simm.s32 @!p0 $0x9  }
0xef: {  	_ =	swait.ge @!p0 [sflag:s0], s1  }
0xf0: {  	s1 =	ssub.s32 @!p0 $0x0, s1;
	[sflag:s0] =	ssyncset.done @!p0 $0x0  }
0xf1: {  	[sflag:s0] =	ssyncadd.s32 @!p0 s1  }
0xf2: {  	[bflag:$0x3] =	sbarrier.arrive $0xFFFF  }
0xf3: {  	_ =	shalt  }

</sc_bundles>
